<compile_context>
chip_gen: v7x
topology: tpu7x:2x2x1
jax: 0.10.2.dev20260603
libtpu: 0.0.44.dev20260713+nightly
codegen_flags: <defaults>
</compile_context>

<pallas_src>
import functools

import jax
import jax.numpy as jnp
from jax import lax
from jax.experimental import pallas as pl
from jax.experimental.pallas import tpu as pltpu
from jax.experimental.pallas import tpu_sc as plsc

B = 4096
F = 26
C = 1000
OUT_W = F * C
NC, NS, L = 2, 16, 16
NW = NC * NS
COLS = B // NW
CROWS = C // 5
CH = C // CROWS
ITEMS = F * CH
KV = COLS // L


def _sc_one_hot_t_body(xt_hbm, out_hbm, x_v, tile0, tile1, sem0, sem1):
    wid = lax.axis_index("s") * NC + lax.axis_index("c")
    col0 = wid * COLS

    pltpu.sync_copy(xt_hbm.at[:, pl.ds(col0, COLS)], x_v)

    lanes = lax.iota(jnp.int32, L)
    ones = jnp.full((L,), 1.0, jnp.float32)
    zeros = jnp.zeros((L,), jnp.float32)
    tiles = (tile0, tile1)
    sems = (sem0, sem1)

    def zbody(r, _):
        for k in range(KV):
            tile0[r, pl.ds(k * L, L)] = zeros
            tile1[r, pl.ds(k * L, L)] = zeros
        return 0
    lax.fori_loop(0, CROWS, zbody, 0)

    def item_fc(i):
        f = i // CH
        c0 = (i - CH * f) * CROWS
        return f, c0

    def dst(f, c0):
        return out_hbm.at[pl.ds(f * C + c0, CROWS), pl.ds(col0, COLS)]

    def sweep(tile, f, c0, val):
        for k in range(KV):
            bl = k * L + lanes
            xv = x_v[f, pl.ds(k * L, L)]
            rel = xv - c0
            m = (rel >= 0) & (rel < CROWS)
            rel = jnp.minimum(jnp.maximum(rel, 0), CROWS - 1)
            plsc.store_scatter(tile, [rel, bl], val, mask=m)

    def paint_start(b, i):
        f, c0 = item_fc(i)
        sweep(tiles[b], f, c0, ones)
        pltpu.async_copy(tiles[b], dst(f, c0), sems[b])

    for b in range(2):
        paint_start(b, b)

    def body(j, _):
        for b in range(2):
            i = 2 * j + b
            f2, c02 = item_fc(i - 2)
            pltpu.make_async_copy(tiles[b], dst(f2, c02), sems[b]).wait()
            sweep(tiles[b], f2, c02, zeros)
            paint_start(b, i)
        return 0
    lax.fori_loop(1, ITEMS // 2, body, 0)

    for b in range(2):
        f2, c02 = item_fc(ITEMS - 2 + b)
        pltpu.make_async_copy(tiles[b], dst(f2, c02), sems[b]).wait()


_sc_one_hot_t = functools.partial(
    pl.kernel,
    out_type=jax.ShapeDtypeStruct((OUT_W, B), jnp.float32),
    mesh=plsc.VectorSubcoreMesh(core_axis_name="c", subcore_axis_name="s"),
    compiler_params=pltpu.CompilerParams(needs_layout_passes=False),
    scratch_types=[
        pltpu.VMEM((F, COLS), jnp.int32),
        pltpu.VMEM((CROWS, COLS), jnp.float32),
        pltpu.VMEM((CROWS, COLS), jnp.float32),
        pltpu.SemaphoreType.DMA,
        pltpu.SemaphoreType.DMA,
    ],
)(_sc_one_hot_t_body)


@jax.jit
def kernel(x):
    out_t = _sc_one_hot_t(x.astype(jnp.int32).T)
    return out_t.T

# --- scband reference (transcript-rebuilt; emitter-appended) ---
"""Pipeline reference for scband-one-hot-flatten-41308995453211 (READ-ONLY COPY).

The authoritative reference and input builder live on the scoring server;
editing this copy changes nothing except your own understanding.
"""

import jax, jax.numpy as jnp
import numpy as np

NUM_CLASSES = 1000

def setup_inputs(seed: int = 0) -> dict:
    key = jax.random.key(seed)
    x = jax.random.randint(key, (4096, 26), 0, NUM_CLASSES, dtype=jnp.int64) if jax.config.jax_enable_x64 else jax.random.randint(key, (4096, 26), 0, NUM_CLASSES, dtype=jnp.int32)
    return {"x": x}

def reference(x) -> jnp.ndarray:
    # torch: F.one_hot(x, num_classes).flatten(-2)
    oh = jax.nn.one_hot(x, NUM_CLASSES, dtype=jnp.float32)  # [B, F, C]
    new_shape = oh.shape[:-2] + (oh.shape[-2] * oh.shape[-1],)
    return oh.reshape(new_shape)  # [B, F*C]

if __name__ == "__main__":
    import jax
    _d = setup_inputs()
    print(jax.jit(kernel)(*tuple(_d.values())))

</pallas_src>

<mosaic_0001>
#map = affine_map<(d0, d1) -> (0, 0)>
module attributes {stable_mosaic.version = 14 : i64} {
  func.func @_sc_one_hot_t_body(%arg0: i32, %arg1: i32, %arg2: memref<26x4096xi32, #tpu.memory_space<hbm>>, %arg3: memref<26000x4096xf32, #tpu.memory_space<hbm>>, %arg4: memref<26x128xi32, #tpu.memory_space<vmem>>, %arg5: memref<200x128xf32, #tpu.memory_space<vmem>>, %arg6: memref<200x128xf32, #tpu.memory_space<vmem>>, %arg7: memref<!tpu.dma_semaphore, #tpu.memory_space<semaphore_mem>>, %arg8: memref<!tpu.dma_semaphore, #tpu.memory_space<semaphore_mem>>) attributes {dimension_semantics = [#tpu.dimension_semantics<core_parallel>, #tpu.dimension_semantics<subcore_parallel>], iteration_bounds = array<i64: 2, 16>, scalar_prefetch = 0 : i64, scratch_operands = 5 : i64, tpu.core_type = #tpu.core_type<sc_vector_subcore>, window_params = [{transform_indices = #map}, {transform_indices = #map}]} {
    %mul3A = arith.constant 2 : i32
    %mul3A_0 = arith.muli %arg1, %mul3A : i32
    %add3A = arith.addi %mul3A_0, %arg0 : i32
    %mul3A_1 = arith.constant 128 : i32
    %mul3A_2 = arith.muli %add3A, %mul3A_1 : i32
    "tpu.region"() ({
      %run_scoped3A = tpu.sem_alloc : memref<!tpu.dma_semaphore, #tpu.memory_space<semaphore_mem>>
      %dma_start3A_394 = arith.constant 0 : i32
      %dma_start3A_395 = tpu.memref_slice %arg2[%dma_start3A_394, %mul3A_2] : memref<26x4096xi32, #tpu.memory_space<hbm>> -> memref<26x128xi32, #tpu.memory_space<hbm>>
      %dma_start3A_396 = arith.constant 0 : i32
      %dma_start3A_397 = tpu.memref_slice %arg2[%dma_start3A_396, %mul3A_2] : memref<26x4096xi32, #tpu.memory_space<hbm>> -> memref<26x128xi32, #tpu.memory_space<hbm>>
      tpu.enqueue_dma source(%dma_start3A_397 : memref<26x128xi32, #tpu.memory_space<hbm>>) target(%arg4 : memref<26x128xi32, #tpu.memory_space<vmem>>) target_semaphore(%run_scoped3A : memref<!tpu.dma_semaphore, #tpu.memory_space<semaphore_mem>>)
      %dma_wait3A_398 = arith.constant 0 : i32
      %dma_wait3A_399 = tpu.memref_slice %arg2[%dma_wait3A_398, %mul3A_2] : memref<26x4096xi32, #tpu.memory_space<hbm>> -> memref<26x128xi32, #tpu.memory_space<hbm>>
      %dma_wait3A_400 = arith.constant 0 : i32
      %dma_wait3A_401 = tpu.memref_slice %arg2[%dma_wait3A_400, %mul3A_2] : memref<26x4096xi32, #tpu.memory_space<hbm>> -> memref<26x128xi32, #tpu.memory_space<hbm>>
      tpu.wait_dma2 semaphore(%run_scoped3A : memref<!tpu.dma_semaphore, #tpu.memory_space<semaphore_mem>>) src(%dma_wait3A_401 : memref<26x128xi32, #tpu.memory_space<hbm>>) dst(%arg4 : memref<26x128xi32, #tpu.memory_space<vmem>>)
      tpu.yield
    }) : () -> ()
    %iota3A = tpu.iota {dimensions = array<i32: 0>} : vector<16xi32>
    %broadcast_in_dim3A = arith.constant 1.000000e+00 : f32
    %broadcast_in_dim3A_3 = vector.broadcast %broadcast_in_dim3A : f32 to vector<16xf32>
    %broadcast_in_dim3A_4 = arith.constant 0.000000e+00 : f32
    %broadcast_in_dim3A_5 = vector.broadcast %broadcast_in_dim3A_4 : f32 to vector<16xf32>
    %scan3A = arith.constant 0 : i32
    %scan3A_6 = arith.constant 0 : i32
    %scan3A_7 = arith.constant 200 : i32
    %scan3A_8 = arith.addi %scan3A_6, %scan3A_7 : i32
    %scan3A_9 = arith.constant 1 : i32
    %scan3A_10 = scf.for %scan3A_394 = %scan3A_6 to %scan3A_8 step %scan3A_9 iter_args(%scan3A_395 = %scan3A) -> (i32)  : i32 {
      %swap3A = arith.index_cast %scan3A_394 : i32 to index
      %swap3A_396 = arith.constant 0 : index
      %swap3A_397 = tpu.vector_load %arg5[%swap3A, %swap3A_396] {strides = array<i32>} : memref<200x128xf32, #tpu.memory_space<vmem>>, vector<16xf32>,
      tpu.vector_store %arg5[%swap3A, %swap3A_396], %broadcast_in_dim3A_5 {strides = array<i32>} : memref<200x128xf32, #tpu.memory_space<vmem>>, vector<16xf32>,
      %swap3A_398 = arith.index_cast %scan3A_394 : i32 to index
      %swap3A_399 = arith.constant 0 : index
      %swap3A_400 = tpu.vector_load %arg6[%swap3A_398, %swap3A_399] {strides = array<i32>} : memref<200x128xf32, #tpu.memory_space<vmem>>, vector<16xf32>,
      tpu.vector_store %arg6[%swap3A_398, %swap3A_399], %broadcast_in_dim3A_5 {strides = array<i32>} : memref<200x128xf32, #tpu.memory_space<vmem>>, vector<16xf32>,
      %swap3A_401 = arith.index_cast %scan3A_394 : i32 to index
      %swap3A_402 = arith.constant 16 : index
      %swap3A_403 = tpu.vector_load %arg5[%swap3A_401, %swap3A_402] {strides = array<i32>} : memref<200x128xf32, #tpu.memory_space<vmem>>, vector<16xf32>,
      tpu.vector_store %arg5[%swap3A_401, %swap3A_402], %broadcast_in_dim3A_5 {strides = array<i32>} : memref<200x128xf32, #tpu.memory_space<vmem>>, vector<16xf32>,
      %swap3A_404 = arith.index_cast %scan3A_394 : i32 to index
      %swap3A_405 = arith.constant 16 : index
      %swap3A_406 = tpu.vector_load %arg6[%swap3A_404, %swap3A_405] {strides = array<i32>} : memref<200x128xf32, #tpu.memory_space<vmem>>, vector<16xf32>,
      tpu.vector_store %arg6[%swap3A_404, %swap3A_405], %broadcast_in_dim3A_5 {strides = array<i32>} : memref<200x128xf32, #tpu.memory_space<vmem>>, vector<16xf32>,
      %swap3A_407 = arith.index_cast %scan3A_394 : i32 to index
      %swap3A_408 = arith.constant 32 : index
      %swap3A_409 = tpu.vector_load %arg5[%swap3A_407, %swap3A_408] {strides = array<i32>} : memref<200x128xf32, #tpu.memory_space<vmem>>, vector<16xf32>,
      tpu.vector_store %arg5[%swap3A_407, %swap3A_408], %broadcast_in_dim3A_5 {strides = array<i32>} : memref<200x128xf32, #tpu.memory_space<vmem>>, vector<16xf32>,
      %swap3A_410 = arith.index_cast %scan3A_394 : i32 to index
      %swap3A_411 = arith.constant 32 : index
      %swap3A_412 = tpu.vector_load %arg6[%swap3A_410, %swap3A_411] {strides = array<i32>} : memref<200x128xf32, #tpu.memory_space<vmem>>, vector<16xf32>,
      tpu.vector_store %arg6[%swap3A_410, %swap3A_411], %broadcast_in_dim3A_5 {strides = array<i32>} : memref<200x128xf32, #tpu.memory_space<vmem>>, vector<16xf32>,
      %swap3A_413 = arith.index_cast %scan3A_394 : i32 to index
      %swap3A_414 = arith.constant 48 : index
      %swap3A_415 = tpu.vector_load %arg5[%swap3A_413, %swap3A_414] {strides = array<i32>} : memref<200x128xf32, #tpu.memory_space<vmem>>, vector<16xf32>,
      tpu.vector_store %arg5[%swap3A_413, %swap3A_414], %broadcast_in_dim3A_5 {strides = array<i32>} : memref<200x128xf32, #tpu.memory_space<vmem>>, vector<16xf32>,
      %swap3A_416 = arith.index_cast %scan3A_394 : i32 to index
      %swap3A_417 = arith.constant 48 : index
      %swap3A_418 = tpu.vector_load %arg6[%swap3A_416, %swap3A_417] {strides = array<i32>} : memref<200x128xf32, #tpu.memory_space<vmem>>, vector<16xf32>,
      tpu.vector_store %arg6[%swap3A_416, %swap3A_417], %broadcast_in_dim3A_5 {strides = array<i32>} : memref<200x128xf32, #tpu.memory_space<vmem>>, vector<16xf32>,
      %swap3A_419 = arith.index_cast %scan3A_394 : i32 to index
      %swap3A_420 = arith.constant 64 : index
      %swap3A_421 = tpu.vector_load %arg5[%swap3A_419, %swap3A_420] {strides = array<i32>} : memref<200x128xf32, #tpu.memory_space<vmem>>, vector<16xf32>,
      tpu.vector_store %arg5[%swap3A_419, %swap3A_420], %broadcast_in_dim3A_5 {strides = array<i32>} : memref<200x128xf32, #tpu.memory_space<vmem>>, vector<16xf32>,
      %swap3A_422 = arith.index_cast %scan3A_394 : i32 to index
      %swap3A_423 = arith.constant 64 : index
      %swap3A_424 = tpu.vector_load %arg6[%swap3A_422, %swap3A_423] {strides = array<i32>} : memref<200x128xf32, #tpu.memory_space<vmem>>, vector<16xf32>,
      tpu.vector_store %arg6[%swap3A_422, %swap3A_423], %broadcast_in_dim3A_5 {strides = array<i32>} : memref<200x128xf32, #tpu.memory_space<vmem>>, vector<16xf32>,
      %swap3A_425 = arith.index_cast %scan3A_394 : i32 to index
      %swap3A_426 = arith.constant 80 : index
      %swap3A_427 = tpu.vector_load %arg5[%swap3A_425, %swap3A_426] {strides = array<i32>} : memref<200x128xf32, #tpu.memory_space<vmem>>, vector<16xf32>,
      tpu.vector_store %arg5[%swap3A_425, %swap3A_426], %broadcast_in_dim3A_5 {strides = array<i32>} : memref<200x128xf32, #tpu.memory_space<vmem>>, vector<16xf32>,
      %swap3A_428 = arith.index_cast %scan3A_394 : i32 to index
      %swap3A_429 = arith.constant 80 : index
      %swap3A_430 = tpu.vector_load %arg6[%swap3A_428, %swap3A_429] {strides = array<i32>} : memref<200x128xf32, #tpu.memory_space<vmem>>, vector<16xf32>,
      tpu.vector_store %arg6[%swap3A_428, %swap3A_429], %broadcast_in_dim3A_5 {strides = array<i32>} : memref<200x128xf32, #tpu.memory_space<vmem>>, vector<16xf32>,
      %swap3A_431 = arith.index_cast %scan3A_394 : i32 to index
      %swap3A_432 = arith.constant 96 : index
      %swap3A_433 = tpu.vector_load %arg5[%swap3A_431, %swap3A_432] {strides = array<i32>} : memref<200x128xf32, #tpu.memory_space<vmem>>, vector<16xf32>,
      tpu.vector_store %arg5[%swap3A_431, %swap3A_432], %broadcast_in_dim3A_5 {strides = array<i32>} : memref<200x128xf32, #tpu.memory_space<vmem>>, vector<16xf32>,
      %swap3A_434 = arith.index_cast %scan3A_394 : i32 to index
      %swap3A_435 = arith.constant 96 : index
      %swap3A_436 = tpu.vector_load %arg6[%swap3A_434, %swap3A_435] {strides = array<i32>} : memref<200x128xf32, #tpu.memory_space<vmem>>, vector<16xf32>,
      tpu.vector_store %arg6[%swap3A_434, %swap3A_435], %broadcast_in_dim3A_5 {strides = array<i32>} : memref<200x128xf32, #tpu.memory_space<vmem>>, vector<16xf32>,
      %swap3A_437 = arith.index_cast %scan3A_394 : i32 to index
      %swap3A_438 = arith.constant 112 : index
      %swap3A_439 = tpu.vector_load %arg5[%swap3A_437, %swap3A_438] {strides = array<i32>} : memref<200x128xf32, #tpu.memory_space<vmem>>, vector<16xf32>,
      tpu.vector_store %arg5[%swap3A_437, %swap3A_438], %broadcast_in_dim3A_5 {strides = array<i32>} : memref<200x128xf32, #tpu.memory_space<vmem>>, vector<16xf32>,
      %swap3A_440 = arith.index_cast %scan3A_394 : i32 to index
      %swap3A_441 = arith.constant 112 : index
      %swap3A_442 = tpu.vector_load %arg6[%swap3A_440, %swap3A_441] {strides = array<i32>} : memref<200x128xf32, #tpu.memory_space<vmem>>, vector<16xf32>,
      tpu.vector_store %arg6[%swap3A_440, %swap3A_441], %broadcast_in_dim3A_5 {strides = array<i32>} : memref<200x128xf32, #tpu.memory_space<vmem>>, vector<16xf32>,
      %scan3A_443 = arith.constant 0 : i32
      scf.yield %scan3A_443 : i32
    }
    %scan3A_11 = arith.constant 200 : i32
    %add3A_12 = arith.constant 0 : i32
    %add3A_13 = vector.broadcast %add3A_12 : i32 to vector<16xi32>
    %add3A_14 = arith.addi %add3A_13, %iota3A : vector<16xi32>
    %get3A = arith.constant 0 : i32
    %get3A_15 = arith.index_cast %get3A : i32 to index
    %get3A_16 = arith.constant 0 : index
    %get3A_17 = tpu.vector_load %arg4[%get3A_15, %get3A_16] {strides = array<i32>} : memref<26x128xi32, #tpu.memory_space<vmem>>, vector<16xi32>,
    %sub3A = arith.constant 0 : i32
    %sub3A_18 = vector.broadcast %sub3A : i32 to vector<16xi32>
    %sub3A_19 = arith.subi %get3A_17, %sub3A_18 : vector<16xi32>
    %ge3A = arith.constant 0 : i32
    %ge3A_20 = vector.broadcast %ge3A : i32 to vector<16xi32>
    %ge3A_21 = arith.cmpi sge, %sub3A_19, %ge3A_20 : vector<16xi32>
    %lt3A = arith.constant 200 : i32
    %lt3A_22 = vector.broadcast %lt3A : i32 to vector<16xi32>
    %lt3A_23 = arith.cmpi slt, %sub3A_19, %lt3A_22 : vector<16xi32>
    %and3A = arith.andi %ge3A_21, %lt3A_23 : vector<16xi1>
    %max3A = arith.constant 0 : i32
    %max3A_24 = vector.broadcast %max3A : i32 to vector<16xi32>
    %max3A_25 = arith.maxsi %sub3A_19, %max3A_24 : vector<16xi32>
    %min3A = arith.constant 199 : i32
    %min3A_26 = vector.broadcast %min3A : i32 to vector<16xi32>
    %min3A_27 = arith.minsi %max3A_25, %min3A_26 : vector<16xi32>
    tpu.vector_store_idx %arg5[%min3A_27, %add3A_14], %broadcast_in_dim3A_3 masked %and3A : memref<200x128xf32, #tpu.memory_space<vmem>>[vector<16xi32>, vector<16xi32>], vector<16xf32>, vector<16xi1>
    %add3A_28 = arith.constant 16 : i32
    %add3A_29 = vector.broadcast %add3A_28 : i32 to vector<16xi32>
    %add3A_30 = arith.addi %add3A_29, %iota3A : vector<16xi32>
    %get3A_31 = arith.constant 0 : i32
    %get3A_32 = arith.index_cast %get3A_31 : i32 to index
    %get3A_33 = arith.constant 16 : index
    %get3A_34 = tpu.vector_load %arg4[%get3A_32, %get3A_33] {strides = array<i32>} : memref<26x128xi32, #tpu.memory_space<vmem>>, vector<16xi32>,
    %sub3A_35 = arith.constant 0 : i32
    %sub3A_36 = vector.broadcast %sub3A_35 : i32 to vector<16xi32>
    %sub3A_37 = arith.subi %get3A_34, %sub3A_36 : vector<16xi32>
    %ge3A_38 = arith.constant 0 : i32
    %ge3A_39 = vector.broadcast %ge3A_38 : i32 to vector<16xi32>
    %ge3A_40 = arith.cmpi sge, %sub3A_37, %ge3A_39 : vector<16xi32>
    %lt3A_41 = arith.constant 200 : i32
    %lt3A_42 = vector.broadcast %lt3A_41 : i32 to vector<16xi32>
    %lt3A_43 = arith.cmpi slt, %sub3A_37, %lt3A_42 : vector<16xi32>
    %and3A_44 = arith.andi %ge3A_40, %lt3A_43 : vector<16xi1>
    %max3A_45 = arith.constant 0 : i32
    %max3A_46 = vector.broadcast %max3A_45 : i32 to vector<16xi32>
    %max3A_47 = arith.maxsi %sub3A_37, %max3A_46 : vector<16xi32>
    %min3A_48 = arith.constant 199 : i32
    %min3A_49 = vector.broadcast %min3A_48 : i32 to vector<16xi32>
    %min3A_50 = arith.minsi %max3A_47, %min3A_49 : vector<16xi32>
    tpu.vector_store_idx %arg5[%min3A_50, %add3A_30], %broadcast_in_dim3A_3 masked %and3A_44 : memref<200x128xf32, #tpu.memory_space<vmem>>[vector<16xi32>, vector<16xi32>], vector<16xf32>, vector<16xi1>
    %add3A_51 = arith.constant 32 : i32
    %add3A_52 = vector.broadcast %add3A_51 : i32 to vector<16xi32>
    %add3A_53 = arith.addi %add3A_52, %iota3A : vector<16xi32>
    %get3A_54 = arith.constant 0 : i32
    %get3A_55 = arith.index_cast %get3A_54 : i32 to index
    %get3A_56 = arith.constant 32 : index
    %get3A_57 = tpu.vector_load %arg4[%get3A_55, %get3A_56] {strides = array<i32>} : memref<26x128xi32, #tpu.memory_space<vmem>>, vector<16xi32>,
    %sub3A_58 = arith.constant 0 : i32
    %sub3A_59 = vector.broadcast %sub3A_58 : i32 to vector<16xi32>
    %sub3A_60 = arith.subi %get3A_57, %sub3A_59 : vector<16xi32>
    %ge3A_61 = arith.constant 0 : i32
    %ge3A_62 = vector.broadcast %ge3A_61 : i32 to vector<16xi32>
    %ge3A_63 = arith.cmpi sge, %sub3A_60, %ge3A_62 : vector<16xi32>
    %lt3A_64 = arith.constant 200 : i32
    %lt3A_65 = vector.broadcast %lt3A_64 : i32 to vector<16xi32>
    %lt3A_66 = arith.cmpi slt, %sub3A_60, %lt3A_65 : vector<16xi32>
    %and3A_67 = arith.andi %ge3A_63, %lt3A_66 : vector<16xi1>
    %max3A_68 = arith.constant 0 : i32
    %max3A_69 = vector.broadcast %max3A_68 : i32 to vector<16xi32>
    %max3A_70 = arith.maxsi %sub3A_60, %max3A_69 : vector<16xi32>
    %min3A_71 = arith.constant 199 : i32
    %min3A_72 = vector.broadcast %min3A_71 : i32 to vector<16xi32>
    %min3A_73 = arith.minsi %max3A_70, %min3A_72 : vector<16xi32>
    tpu.vector_store_idx %arg5[%min3A_73, %add3A_53], %broadcast_in_dim3A_3 masked %and3A_67 : memref<200x128xf32, #tpu.memory_space<vmem>>[vector<16xi32>, vector<16xi32>], vector<16xf32>, vector<16xi1>
    %add3A_74 = arith.constant 48 : i32
    %add3A_75 = vector.broadcast %add3A_74 : i32 to vector<16xi32>
    %add3A_76 = arith.addi %add3A_75, %iota3A : vector<16xi32>
    %get3A_77 = arith.constant 0 : i32
    %get3A_78 = arith.index_cast %get3A_77 : i32 to index
    %get3A_79 = arith.constant 48 : index
    %get3A_80 = tpu.vector_load %arg4[%get3A_78, %get3A_79] {strides = array<i32>} : memref<26x128xi32, #tpu.memory_space<vmem>>, vector<16xi32>,
    %sub3A_81 = arith.constant 0 : i32
    %sub3A_82 = vector.broadcast %sub3A_81 : i32 to vector<16xi32>
    %sub3A_83 = arith.subi %get3A_80, %sub3A_82 : vector<16xi32>
    %ge3A_84 = arith.constant 0 : i32
    %ge3A_85 = vector.broadcast %ge3A_84 : i32 to vector<16xi32>
    %ge3A_86 = arith.cmpi sge, %sub3A_83, %ge3A_85 : vector<16xi32>
    %lt3A_87 = arith.constant 200 : i32
    %lt3A_88 = vector.broadcast %lt3A_87 : i32 to vector<16xi32>
    %lt3A_89 = arith.cmpi slt, %sub3A_83, %lt3A_88 : vector<16xi32>
    %and3A_90 = arith.andi %ge3A_86, %lt3A_89 : vector<16xi1>
    %max3A_91 = arith.constant 0 : i32
    %max3A_92 = vector.broadcast %max3A_91 : i32 to vector<16xi32>
    %max3A_93 = arith.maxsi %sub3A_83, %max3A_92 : vector<16xi32>
    %min3A_94 = arith.constant 199 : i32
    %min3A_95 = vector.broadcast %min3A_94 : i32 to vector<16xi32>
    %min3A_96 = arith.minsi %max3A_93, %min3A_95 : vector<16xi32>
    tpu.vector_store_idx %arg5[%min3A_96, %add3A_76], %broadcast_in_dim3A_3 masked %and3A_90 : memref<200x128xf32, #tpu.memory_space<vmem>>[vector<16xi32>, vector<16xi32>], vector<16xf32>, vector<16xi1>
    %add3A_97 = arith.constant 64 : i32
    %add3A_98 = vector.broadcast %add3A_97 : i32 to vector<16xi32>
    %add3A_99 = arith.addi %add3A_98, %iota3A : vector<16xi32>
    %get3A_100 = arith.constant 0 : i32
    %get3A_101 = arith.index_cast %get3A_100 : i32 to index
    %get3A_102 = arith.constant 64 : index
    %get3A_103 = tpu.vector_load %arg4[%get3A_101, %get3A_102] {strides = array<i32>} : memref<26x128xi32, #tpu.memory_space<vmem>>, vector<16xi32>,
    %sub3A_104 = arith.constant 0 : i32
    %sub3A_105 = vector.broadcast %sub3A_104 : i32 to vector<16xi32>
    %sub3A_106 = arith.subi %get3A_103, %sub3A_105 : vector<16xi32>
    %ge3A_107 = arith.constant 0 : i32
    %ge3A_108 = vector.broadcast %ge3A_107 : i32 to vector<16xi32>
    %ge3A_109 = arith.cmpi sge, %sub3A_106, %ge3A_108 : vector<16xi32>
    %lt3A_110 = arith.constant 200 : i32
    %lt3A_111 = vector.broadcast %lt3A_110 : i32 to vector<16xi32>
    %lt3A_112 = arith.cmpi slt, %sub3A_106, %lt3A_111 : vector<16xi32>
    %and3A_113 = arith.andi %ge3A_109, %lt3A_112 : vector<16xi1>
    %max3A_114 = arith.constant 0 : i32
    %max3A_115 = vector.broadcast %max3A_114 : i32 to vector<16xi32>
    %max3A_116 = arith.maxsi %sub3A_106, %max3A_115 : vector<16xi32>
    %min3A_117 = arith.constant 199 : i32
    %min3A_118 = vector.broadcast %min3A_117 : i32 to vector<16xi32>
    %min3A_119 = arith.minsi %max3A_116, %min3A_118 : vector<16xi32>
    tpu.vector_store_idx %arg5[%min3A_119, %add3A_99], %broadcast_in_dim3A_3 masked %and3A_113 : memref<200x128xf32, #tpu.memory_space<vmem>>[vector<16xi32>, vector<16xi32>], vector<16xf32>, vector<16xi1>
    %add3A_120 = arith.constant 80 : i32
    %add3A_121 = vector.broadcast %add3A_120 : i32 to vector<16xi32>
    %add3A_122 = arith.addi %add3A_121, %iota3A : vector<16xi32>
    %get3A_123 = arith.constant 0 : i32
    %get3A_124 = arith.index_cast %get3A_123 : i32 to index
    %get3A_125 = arith.constant 80 : index
    %get3A_126 = tpu.vector_load %arg4[%get3A_124, %get3A_125] {strides = array<i32>} : memref<26x128xi32, #tpu.memory_space<vmem>>, vector<16xi32>,
    %sub3A_127 = arith.constant 0 : i32
    %sub3A_128 = vector.broadcast %sub3A_127 : i32 to vector<16xi32>
    %sub3A_129 = arith.subi %get3A_126, %sub3A_128 : vector<16xi32>
    %ge3A_130 = arith.constant 0 : i32
    %ge3A_131 = vector.broadcast %ge3A_130 : i32 to vector<16xi32>
    %ge3A_132 = arith.cmpi sge, %sub3A_129, %ge3A_131 : vector<16xi32>
    %lt3A_133 = arith.constant 200 : i32
    %lt3A_134 = vector.broadcast %lt3A_133 : i32 to vector<16xi32>
    %lt3A_135 = arith.cmpi slt, %sub3A_129, %lt3A_134 : vector<16xi32>
    %and3A_136 = arith.andi %ge3A_132, %lt3A_135 : vector<16xi1>
    %max3A_137 = arith.constant 0 : i32
    %max3A_138 = vector.broadcast %max3A_137 : i32 to vector<16xi32>
    %max3A_139 = arith.maxsi %sub3A_129, %max3A_138 : vector<16xi32>
    %min3A_140 = arith.constant 199 : i32
    %min3A_141 = vector.broadcast %min3A_140 : i32 to vector<16xi32>
    %min3A_142 = arith.minsi %max3A_139, %min3A_141 : vector<16xi32>
    tpu.vector_store_idx %arg5[%min3A_142, %add3A_122], %broadcast_in_dim3A_3 masked %and3A_136 : memref<200x128xf32, #tpu.memory_space<vmem>>[vector<16xi32>, vector<16xi32>], vector<16xf32>, vector<16xi1>
    %add3A_143 = arith.constant 96 : i32
    %add3A_144 = vector.broadcast %add3A_143 : i32 to vector<16xi32>
    %add3A_145 = arith.addi %add3A_144, %iota3A : vector<16xi32>
    %get3A_146 = arith.constant 0 : i32
    %get3A_147 = arith.index_cast %get3A_146 : i32 to index
    %get3A_148 = arith.constant 96 : index
    %get3A_149 = tpu.vector_load %arg4[%get3A_147, %get3A_148] {strides = array<i32>} : memref<26x128xi32, #tpu.memory_space<vmem>>, vector<16xi32>,
    %sub3A_150 = arith.constant 0 : i32
    %sub3A_151 = vector.broadcast %sub3A_150 : i32 to vector<16xi32>
    %sub3A_152 = arith.subi %get3A_149, %sub3A_151 : vector<16xi32>
    %ge3A_153 = arith.constant 0 : i32
    %ge3A_154 = vector.broadcast %ge3A_153 : i32 to vector<16xi32>
    %ge3A_155 = arith.cmpi sge, %sub3A_152, %ge3A_154 : vector<16xi32>
    %lt3A_156 = arith.constant 200 : i32
    %lt3A_157 = vector.broadcast %lt3A_156 : i32 to vector<16xi32>
    %lt3A_158 = arith.cmpi slt, %sub3A_152, %lt3A_157 : vector<16xi32>
    %and3A_159 = arith.andi %ge3A_155, %lt3A_158 : vector<16xi1>
    %max3A_160 = arith.constant 0 : i32
    %max3A_161 = vector.broadcast %max3A_160 : i32 to vector<16xi32>
    %max3A_162 = arith.maxsi %sub3A_152, %max3A_161 : vector<16xi32>
    %min3A_163 = arith.constant 199 : i32
    %min3A_164 = vector.broadcast %min3A_163 : i32 to vector<16xi32>
    %min3A_165 = arith.minsi %max3A_162, %min3A_164 : vector<16xi32>
    tpu.vector_store_idx %arg5[%min3A_165, %add3A_145], %broadcast_in_dim3A_3 masked %and3A_159 : memref<200x128xf32, #tpu.memory_space<vmem>>[vector<16xi32>, vector<16xi32>], vector<16xf32>, vector<16xi1>
    %add3A_166 = arith.constant 112 : i32
    %add3A_167 = vector.broadcast %add3A_166 : i32 to vector<16xi32>
    %add3A_168 = arith.addi %add3A_167, %iota3A : vector<16xi32>
    %get3A_169 = arith.constant 0 : i32
    %get3A_170 = arith.index_cast %get3A_169 : i32 to index
    %get3A_171 = arith.constant 112 : index
    %get3A_172 = tpu.vector_load %arg4[%get3A_170, %get3A_171] {strides = array<i32>} : memref<26x128xi32, #tpu.memory_space<vmem>>, vector<16xi32>,
    %sub3A_173 = arith.constant 0 : i32
    %sub3A_174 = vector.broadcast %sub3A_173 : i32 to vector<16xi32>
    %sub3A_175 = arith.subi %get3A_172, %sub3A_174 : vector<16xi32>
    %ge3A_176 = arith.constant 0 : i32
    %ge3A_177 = vector.broadcast %ge3A_176 : i32 to vector<16xi32>
    %ge3A_178 = arith.cmpi sge, %sub3A_175, %ge3A_177 : vector<16xi32>
    %lt3A_179 = arith.constant 200 : i32
    %lt3A_180 = vector.broadcast %lt3A_179 : i32 to vector<16xi32>
    %lt3A_181 = arith.cmpi slt, %sub3A_175, %lt3A_180 : vector<16xi32>
    %and3A_182 = arith.andi %ge3A_178, %lt3A_181 : vector<16xi1>
    %max3A_183 = arith.constant 0 : i32
    %max3A_184 = vector.broadcast %max3A_183 : i32 to vector<16xi32>
    %max3A_185 = arith.maxsi %sub3A_175, %max3A_184 : vector<16xi32>
    %min3A_186 = arith.constant 199 : i32
    %min3A_187 = vector.broadcast %min3A_186 : i32 to vector<16xi32>
    %min3A_188 = arith.minsi %max3A_185, %min3A_187 : vector<16xi32>
    tpu.vector_store_idx %arg5[%min3A_188, %add3A_168], %broadcast_in_dim3A_3 masked %and3A_182 : memref<200x128xf32, #tpu.memory_space<vmem>>[vector<16xi32>, vector<16xi32>], vector<16xf32>, vector<16xi1>
    %dma_start3A = arith.constant 0 : i32
    %dma_start3A_189 = tpu.memref_slice %arg3[%dma_start3A, %mul3A_2] : memref<26000x4096xf32, #tpu.memory_space<hbm>> -> memref<200x128xf32, #tpu.memory_space<hbm>>
    %dma_start3A_190 = arith.constant 0 : i32
    %dma_start3A_191 = tpu.memref_slice %arg3[%dma_start3A_190, %mul3A_2] : memref<26000x4096xf32, #tpu.memory_space<hbm>> -> memref<200x128xf32, #tpu.memory_space<hbm>>
    tpu.enqueue_dma source(%arg5 : memref<200x128xf32, #tpu.memory_space<vmem>>) target(%dma_start3A_191 : memref<200x128xf32, #tpu.memory_space<hbm>>) target_semaphore(%arg7 : memref<!tpu.dma_semaphore, #tpu.memory_space<semaphore_mem>>)
    %add3A_192 = arith.constant 0 : i32
    %add3A_193 = vector.broadcast %add3A_192 : i32 to vector<16xi32>
    %add3A_194 = arith.addi %add3A_193, %iota3A : vector<16xi32>
    %get3A_195 = arith.constant 0 : i32
    %get3A_196 = arith.index_cast %get3A_195 : i32 to index
    %get3A_197 = arith.constant 0 : index
    %get3A_198 = tpu.vector_load %arg4[%get3A_196, %get3A_197] {strides = array<i32>} : memref<26x128xi32, #tpu.memory_space<vmem>>, vector<16xi32>,
    %sub3A_199 = arith.constant 200 : i32
    %sub3A_200 = vector.broadcast %sub3A_199 : i32 to vector<16xi32>
    %sub3A_201 = arith.subi %get3A_198, %sub3A_200 : vector<16xi32>
    %ge3A_202 = arith.constant 0 : i32
    %ge3A_203 = vector.broadcast %ge3A_202 : i32 to vector<16xi32>
    %ge3A_204 = arith.cmpi sge, %sub3A_201, %ge3A_203 : vector<16xi32>
    %lt3A_205 = arith.constant 200 : i32
    %lt3A_206 = vector.broadcast %lt3A_205 : i32 to vector<16xi32>
    %lt3A_207 = arith.cmpi slt, %sub3A_201, %lt3A_206 : vector<16xi32>
    %and3A_208 = arith.andi %ge3A_204, %lt3A_207 : vector<16xi1>
    %max3A_209 = arith.constant 0 : i32
    %max3A_210 = vector.broadcast %max3A_209 : i32 to vector<16xi32>
    %max3A_211 = arith.maxsi %sub3A_201, %max3A_210 : vector<16xi32>
    %min3A_212 = arith.constant 199 : i32
    %min3A_213 = vector.broadcast %min3A_212 : i32 to vector<16xi32>
    %min3A_214 = arith.minsi %max3A_211, %min3A_213 : vector<16xi32>
    tpu.vector_store_idx %arg6[%min3A_214, %add3A_194], %broadcast_in_dim3A_3 masked %and3A_208 : memref<200x128xf32, #tpu.memory_space<vmem>>[vector<16xi32>, vector<16xi32>], vector<16xf32>, vector<16xi1>
    %add3A_215 = arith.constant 16 : i32
    %add3A_216 = vector.broadcast %add3A_215 : i32 to vector<16xi32>
    %add3A_217 = arith.addi %add3A_216, %iota3A : vector<16xi32>
    %get3A_218 = arith.constant 0 : i32
    %get3A_219 = arith.index_cast %get3A_218 : i32 to index
    %get3A_220 = arith.constant 16 : index
    %get3A_221 = tpu.vector_load %arg4[%get3A_219, %get3A_220] {strides = array<i32>} : memref<26x128xi32, #tpu.memory_space<vmem>>, vector<16xi32>,
    %sub3A_222 = arith.constant 200 : i32
    %sub3A_223 = vector.broadcast %sub3A_222 : i32 to vector<16xi32>
    %sub3A_224 = arith.subi %get3A_221, %sub3A_223 : vector<16xi32>
    %ge3A_225 = arith.constant 0 : i32
    %ge3A_226 = vector.broadcast %ge3A_225 : i32 to vector<16xi32>
    %ge3A_227 = arith.cmpi sge, %sub3A_224, %ge3A_226 : vector<16xi32>
    %lt3A_228 = arith.constant 200 : i32
    %lt3A_229 = vector.broadcast %lt3A_228 : i32 to vector<16xi32>
    %lt3A_230 = arith.cmpi slt, %sub3A_224, %lt3A_229 : vector<16xi32>
    %and3A_231 = arith.andi %ge3A_227, %lt3A_230 : vector<16xi1>
    %max3A_232 = arith.constant 0 : i32
    %max3A_233 = vector.broadcast %max3A_232 : i32 to vector<16xi32>
    %max3A_234 = arith.maxsi %sub3A_224, %max3A_233 : vector<16xi32>
    %min3A_235 = arith.constant 199 : i32
    %min3A_236 = vector.broadcast %min3A_235 : i32 to vector<16xi32>
    %min3A_237 = arith.minsi %max3A_234, %min3A_236 : vector<16xi32>
    tpu.vector_store_idx %arg6[%min3A_237, %add3A_217], %broadcast_in_dim3A_3 masked %and3A_231 : memref<200x128xf32, #tpu.memory_space<vmem>>[vector<16xi32>, vector<16xi32>], vector<16xf32>, vector<16xi1>
    %add3A_238 = arith.constant 32 : i32
    %add3A_239 = vector.broadcast %add3A_238 : i32 to vector<16xi32>
    %add3A_240 = arith.addi %add3A_239, %iota3A : vector<16xi32>
    %get3A_241 = arith.constant 0 : i32
    %get3A_242 = arith.index_cast %get3A_241 : i32 to index
    %get3A_243 = arith.constant 32 : index
    %get3A_244 = tpu.vector_load %arg4[%get3A_242, %get3A_243] {strides = array<i32>} : memref<26x128xi32, #tpu.memory_space<vmem>>, vector<16xi32>,
    %sub3A_245 = arith.constant 200 : i32
    %sub3A_246 = vector.broadcast %sub3A_245 : i32 to vector<16xi32>
    %sub3A_247 = arith.subi %get3A_244, %sub3A_246 : vector<16xi32>
    %ge3A_248 = arith.constant 0 : i32
    %ge3A_249 = vector.broadcast %ge3A_248 : i32 to vector<16xi32>
    %ge3A_250 = arith.cmpi sge, %sub3A_247, %ge3A_249 : vector<16xi32>
    %lt3A_251 = arith.constant 200 : i32
    %lt3A_252 = vector.broadcast %lt3A_251 : i32 to vector<16xi32>
    %lt3A_253 = arith.cmpi slt, %sub3A_247, %lt3A_252 : vector<16xi32>
    %and3A_254 = arith.andi %ge3A_250, %lt3A_253 : vector<16xi1>
    %max3A_255 = arith.constant 0 : i32
    %max3A_256 = vector.broadcast %max3A_255 : i32 to vector<16xi32>
    %max3A_257 = arith.maxsi %sub3A_247, %max3A_256 : vector<16xi32>
    %min3A_258 = arith.constant 199 : i32
    %min3A_259 = vector.broadcast %min3A_258 : i32 to vector<16xi32>
    %min3A_260 = arith.minsi %max3A_257, %min3A_259 : vector<16xi32>
    tpu.vector_store_idx %arg6[%min3A_260, %add3A_240], %broadcast_in_dim3A_3 masked %and3A_254 : memref<200x128xf32, #tpu.memory_space<vmem>>[vector<16xi32>, vector<16xi32>], vector<16xf32>, vector<16xi1>
    %add3A_261 = arith.constant 48 : i32
    %add3A_262 = vector.broadcast %add3A_261 : i32 to vector<16xi32>
    %add3A_263 = arith.addi %add3A_262, %iota3A : vector<16xi32>
    %get3A_264 = arith.constant 0 : i32
    %get3A_265 = arith.index_cast %get3A_264 : i32 to index
    %get3A_266 = arith.constant 48 : index
    %get3A_267 = tpu.vector_load %arg4[%get3A_265, %get3A_266] {strides = array<i32>} : memref<26x128xi32, #tpu.memory_space<vmem>>, vector<16xi32>,
    %sub3A_268 = arith.constant 200 : i32
    %sub3A_269 = vector.broadcast %sub3A_268 : i32 to vector<16xi32>
    %sub3A_270 = arith.subi %get3A_267, %sub3A_269 : vector<16xi32>
    %ge3A_271 = arith.constant 0 : i32
    %ge3A_272 = vector.broadcast %ge3A_271 : i32 to vector<16xi32>
    %ge3A_273 = arith.cmpi sge, %sub3A_270, %ge3A_272 : vector<16xi32>
    %lt3A_274 = arith.constant 200 : i32
    %lt3A_275 = vector.broadcast %lt3A_274 : i32 to vector<16xi32>
    %lt3A_276 = arith.cmpi slt, %sub3A_270, %lt3A_275 : vector<16xi32>
    %and3A_277 = arith.andi %ge3A_273, %lt3A_276 : vector<16xi1>
    %max3A_278 = arith.constant 0 : i32
    %max3A_279 = vector.broadcast %max3A_278 : i32 to vector<16xi32>
    %max3A_280 = arith.maxsi %sub3A_270, %max3A_279 : vector<16xi32>
    %min3A_281 = arith.constant 199 : i32
    %min3A_282 = vector.broadcast %min3A_281 : i32 to vector<16xi32>
    %min3A_283 = arith.minsi %max3A_280, %min3A_282 : vector<16xi32>
    tpu.vector_store_idx %arg6[%min3A_283, %add3A_263], %broadcast_in_dim3A_3 masked %and3A_277 : memref<200x128xf32, #tpu.memory_space<vmem>>[vector<16xi32>, vector<16xi32>], vector<16xf32>, vector<16xi1>
    %add3A_284 = arith.constant 64 : i32
    %add3A_285 = vector.broadcast %add3A_284 : i32 to vector<16xi32>
    %add3A_286 = arith.addi %add3A_285, %iota3A : vector<16xi32>
    %get3A_287 = arith.constant 0 : i32
    %get3A_288 = arith.index_cast %get3A_287 : i32 to index
    %get3A_289 = arith.constant 64 : index
    %get3A_290 = tpu.vector_load %arg4[%get3A_288, %get3A_289] {strides = array<i32>} : memref<26x128xi32, #tpu.memory_space<vmem>>, vector<16xi32>,
    %sub3A_291 = arith.constant 200 : i32
    %sub3A_292 = vector.broadcast %sub3A_291 : i32 to vector<16xi32>
    %sub3A_293 = arith.subi %get3A_290, %sub3A_292 : vector<16xi32>
    %ge3A_294 = arith.constant 0 : i32
    %ge3A_295 = vector.broadcast %ge3A_294 : i32 to vector<16xi32>
    %ge3A_296 = arith.cmpi sge, %sub3A_293, %ge3A_295 : vector<16xi32>
    %lt3A_297 = arith.constant 200 : i32
    %lt3A_298 = vector.broadcast %lt3A_297 : i32 to vector<16xi32>
    %lt3A_299 = arith.cmpi slt, %sub3A_293, %lt3A_298 : vector<16xi32>
    %and3A_300 = arith.andi %ge3A_296, %lt3A_299 : vector<16xi1>
    %max3A_301 = arith.constant 0 : i32
    %max3A_302 = vector.broadcast %max3A_301 : i32 to vector<16xi32>
    %max3A_303 = arith.maxsi %sub3A_293, %max3A_302 : vector<16xi32>
    %min3A_304 = arith.constant 199 : i32
    %min3A_305 = vector.broadcast %min3A_304 : i32 to vector<16xi32>
    %min3A_306 = arith.minsi %max3A_303, %min3A_305 : vector<16xi32>
    tpu.vector_store_idx %arg6[%min3A_306, %add3A_286], %broadcast_in_dim3A_3 masked %and3A_300 : memref<200x128xf32, #tpu.memory_space<vmem>>[vector<16xi32>, vector<16xi32>], vector<16xf32>, vector<16xi1>
    %add3A_307 = arith.constant 80 : i32
    %add3A_308 = vector.broadcast %add3A_307 : i32 to vector<16xi32>
    %add3A_309 = arith.addi %add3A_308, %iota3A : vector<16xi32>
    %get3A_310 = arith.constant 0 : i32
    %get3A_311 = arith.index_cast %get3A_310 : i32 to index
    %get3A_312 = arith.constant 80 : index
    %get3A_313 = tpu.vector_load %arg4[%get3A_311, %get3A_312] {strides = array<i32>} : memref<26x128xi32, #tpu.memory_space<vmem>>, vector<16xi32>,
    %sub3A_314 = arith.constant 200 : i32
    %sub3A_315 = vector.broadcast %sub3A_314 : i32 to vector<16xi32>
    %sub3A_316 = arith.subi %get3A_313, %sub3A_315 : vector<16xi32>
    %ge3A_317 = arith.constant 0 : i32
    %ge3A_318 = vector.broadcast %ge3A_317 : i32 to vector<16xi32>
    %ge3A_319 = arith.cmpi sge, %sub3A_316, %ge3A_318 : vector<16xi32>
    %lt3A_320 = arith.constant 200 : i32
    %lt3A_321 = vector.broadcast %lt3A_320 : i32 to vector<16xi32>
    %lt3A_322 = arith.cmpi slt, %sub3A_316, %lt3A_321 : vector<16xi32>
    %and3A_323 = arith.andi %ge3A_319, %lt3A_322 : vector<16xi1>
    %max3A_324 = arith.constant 0 : i32
    %max3A_325 = vector.broadcast %max3A_324 : i32 to vector<16xi32>
    %max3A_326 = arith.maxsi %sub3A_316, %max3A_325 : vector<16xi32>
    %min3A_327 = arith.constant 199 : i32
    %min3A_328 = vector.broadcast %min3A_327 : i32 to vector<16xi32>
    %min3A_329 = arith.minsi %max3A_326, %min3A_328 : vector<16xi32>
    tpu.vector_store_idx %arg6[%min3A_329, %add3A_309], %broadcast_in_dim3A_3 masked %and3A_323 : memref<200x128xf32, #tpu.memory_space<vmem>>[vector<16xi32>, vector<16xi32>], vector<16xf32>, vector<16xi1>
    %add3A_330 = arith.constant 96 : i32
    %add3A_331 = vector.broadcast %add3A_330 : i32 to vector<16xi32>
    %add3A_332 = arith.addi %add3A_331, %iota3A : vector<16xi32>
    %get3A_333 = arith.constant 0 : i32
    %get3A_334 = arith.index_cast %get3A_333 : i32 to index
    %get3A_335 = arith.constant 96 : index
    %get3A_336 = tpu.vector_load %arg4[%get3A_334, %get3A_335] {strides = array<i32>} : memref<26x128xi32, #tpu.memory_space<vmem>>, vector<16xi32>,
    %sub3A_337 = arith.constant 200 : i32
    %sub3A_338 = vector.broadcast %sub3A_337 : i32 to vector<16xi32>
    %sub3A_339 = arith.subi %get3A_336, %sub3A_338 : vector<16xi32>
    %ge3A_340 = arith.constant 0 : i32
    %ge3A_341 = vector.broadcast %ge3A_340 : i32 to vector<16xi32>
    %ge3A_342 = arith.cmpi sge, %sub3A_339, %ge3A_341 : vector<16xi32>
    %lt3A_343 = arith.constant 200 : i32
    %lt3A_344 = vector.broadcast %lt3A_343 : i32 to vector<16xi32>
    %lt3A_345 = arith.cmpi slt, %sub3A_339, %lt3A_344 : vector<16xi32>
    %and3A_346 = arith.andi %ge3A_342, %lt3A_345 : vector<16xi1>
    %max3A_347 = arith.constant 0 : i32
    %max3A_348 = vector.broadcast %max3A_347 : i32 to vector<16xi32>
    %max3A_349 = arith.maxsi %sub3A_339, %max3A_348 : vector<16xi32>
    %min3A_350 = arith.constant 199 : i32
    %min3A_351 = vector.broadcast %min3A_350 : i32 to vector<16xi32>
    %min3A_352 = arith.minsi %max3A_349, %min3A_351 : vector<16xi32>
    tpu.vector_store_idx %arg6[%min3A_352, %add3A_332], %broadcast_in_dim3A_3 masked %and3A_346 : memref<200x128xf32, #tpu.memory_space<vmem>>[vector<16xi32>, vector<16xi32>], vector<16xf32>, vector<16xi1>
    %add3A_353 = arith.constant 112 : i32
    %add3A_354 = vector.broadcast %add3A_353 : i32 to vector<16xi32>
    %add3A_355 = arith.addi %add3A_354, %iota3A : vector<16xi32>
    %get3A_356 = arith.constant 0 : i32
    %get3A_357 = arith.index_cast %get3A_356 : i32 to index
    %get3A_358 = arith.constant 112 : index
    %get3A_359 = tpu.vector_load %arg4[%get3A_357, %get3A_358] {strides = array<i32>} : memref<26x128xi32, #tpu.memory_space<vmem>>, vector<16xi32>,
    %sub3A_360 = arith.constant 200 : i32
    %sub3A_361 = vector.broadcast %sub3A_360 : i32 to vector<16xi32>
    %sub3A_362 = arith.subi %get3A_359, %sub3A_361 : vector<16xi32>
    %ge3A_363 = arith.constant 0 : i32
    %ge3A_364 = vector.broadcast %ge3A_363 : i32 to vector<16xi32>
    %ge3A_365 = arith.cmpi sge, %sub3A_362, %ge3A_364 : vector<16xi32>
    %lt3A_366 = arith.constant 200 : i32
    %lt3A_367 = vector.broadcast %lt3A_366 : i32 to vector<16xi32>
    %lt3A_368 = arith.cmpi slt, %sub3A_362, %lt3A_367 : vector<16xi32>
    %and3A_369 = arith.andi %ge3A_365, %lt3A_368 : vector<16xi1>
    %max3A_370 = arith.constant 0 : i32
    %max3A_371 = vector.broadcast %max3A_370 : i32 to vector<16xi32>
    %max3A_372 = arith.maxsi %sub3A_362, %max3A_371 : vector<16xi32>
    %min3A_373 = arith.constant 199 : i32
    %min3A_374 = vector.broadcast %min3A_373 : i32 to vector<16xi32>
    %min3A_375 = arith.minsi %max3A_372, %min3A_374 : vector<16xi32>
    tpu.vector_store_idx %arg6[%min3A_375, %add3A_355], %broadcast_in_dim3A_3 masked %and3A_369 : memref<200x128xf32, #tpu.memory_space<vmem>>[vector<16xi32>, vector<16xi32>], vector<16xf32>, vector<16xi1>
    %dma_start3A_376 = arith.constant 200 : i32
    %dma_start3A_377 = tpu.memref_slice %arg3[%dma_start3A_376, %mul3A_2] : memref<26000x4096xf32, #tpu.memory_space<hbm>> -> memref<200x128xf32, #tpu.memory_space<hbm>>
    %dma_start3A_378 = arith.constant 200 : i32
    %dma_start3A_379 = tpu.memref_slice %arg3[%dma_start3A_378, %mul3A_2] : memref<26000x4096xf32, #tpu.memory_space<hbm>> -> memref<200x128xf32, #tpu.memory_space<hbm>>
    tpu.enqueue_dma source(%arg6 : memref<200x128xf32, #tpu.memory_space<vmem>>) target(%dma_start3A_379 : memref<200x128xf32, #tpu.memory_space<hbm>>) target_semaphore(%arg8 : memref<!tpu.dma_semaphore, #tpu.memory_space<semaphore_mem>>)
    %scan3A_380 = arith.constant 0 : i32
    %scan3A_381 = arith.constant 1 : i32
    %scan3A_382 = arith.constant 64 : i32
    %scan3A_383 = arith.addi %scan3A_381, %scan3A_382 : i32
    %scan3A_384 = arith.constant 1 : i32
    %scan3A_385 = scf.for %scan3A_394 = %scan3A_381 to %scan3A_383 step %scan3A_384 iter_args(%scan3A_395 = %scan3A_380) -> (i32)  : i32 {
      %mul3A_396 = arith.constant 2 : i32
      %mul3A_397 = arith.muli %mul3A_396, %scan3A_394 : i32
      %add3A_398 = arith.constant 0 : i32
      %add3A_399 = arith.addi %mul3A_397, %add3A_398 : i32
      %sub3A_400 = arith.constant 2 : i32
      %sub3A_401 = arith.subi %add3A_399, %sub3A_400 : i32
      %jit3A = arith.constant 5 : i32
      %div3A = arith.divsi %sub3A_401, %jit3A : i32
      %sign3A = arith.constant 0 : i32
      %sign3A_402 = arith.cmpi sgt, %sub3A_401, %sign3A : i32
      %sign3A_403 = arith.extui %sign3A_402 : i1 to i32
      %sign3A_404 = arith.constant 0 : i32
      %sign3A_405 = arith.cmpi slt, %sub3A_401, %sign3A_404 : i32
      %sign3A_406 = arith.extui %sign3A_405 : i1 to i32
      %sign3A_407 = arith.subi %sign3A_403, %sign3A_406 : i32
      %sign3A_408 = arith.constant 0 : i32
      %sign3A_409 = arith.cmpi sgt, %jit3A, %sign3A_408 : i32
      %sign3A_410 = arith.extui %sign3A_409 : i1 to i32
      %sign3A_411 = arith.constant 0 : i32
      %sign3A_412 = arith.cmpi slt, %jit3A, %sign3A_411 : i32
      %sign3A_413 = arith.extui %sign3A_412 : i1 to i32
      %sign3A_414 = arith.subi %sign3A_410, %sign3A_413 : i32
      %ne3A = arith.cmpi ne, %sign3A_407, %sign3A_414 : i32
      %rem3A = arith.remsi %sub3A_401, %jit3A : i32
      %ne3A_415 = arith.constant 0 : i32
      %ne3A_416 = arith.cmpi ne, %rem3A, %ne3A_415 : i32
      %and3A_417 = arith.andi %ne3A, %ne3A_416 : i1
      %sub3A_418 = arith.constant 1 : i32
      %sub3A_419 = arith.subi %div3A, %sub3A_418 : i32
      %select_n3A = arith.select %and3A_417, %sub3A_419, %div3A : i32
      %mul3A_420 = arith.constant 5 : i32
      %mul3A_421 = arith.muli %mul3A_420, %select_n3A : i32
      %sub3A_422 = arith.subi %sub3A_401, %mul3A_421 : i32
      %mul3A_423 = arith.constant 200 : i32
      %mul3A_424 = arith.muli %sub3A_422, %mul3A_423 : i32
      %mul3A_425 = arith.constant 1000 : i32
      %mul3A_426 = arith.muli %select_n3A, %mul3A_425 : i32
      %add3A_427 = arith.addi %mul3A_426, %mul3A_424 : i32
      %dma_wait3A_428 = tpu.memref_slice %arg3[%add3A_427, %mul3A_2] : memref<26000x4096xf32, #tpu.memory_space<hbm>> -> memref<200x128xf32, #tpu.memory_space<hbm>>
      %dma_wait3A_429 = tpu.memref_slice %arg3[%add3A_427, %mul3A_2] : memref<26000x4096xf32, #tpu.memory_space<hbm>> -> memref<200x128xf32, #tpu.memory_space<hbm>>
      tpu.wait_dma2 semaphore(%arg7 : memref<!tpu.dma_semaphore, #tpu.memory_space<semaphore_mem>>) src(%arg5 : memref<200x128xf32, #tpu.memory_space<vmem>>) dst(%dma_wait3A_429 : memref<200x128xf32, #tpu.memory_space<hbm>>)
      %add3A_430 = arith.constant 0 : i32
      %add3A_431 = vector.broadcast %add3A_430 : i32 to vector<16xi32>
      %add3A_432 = arith.addi %add3A_431, %iota3A : vector<16xi32>
      %get3A_433 = arith.index_cast %select_n3A : i32 to index
      %get3A_434 = arith.constant 0 : index
      %get3A_435 = tpu.vector_load %arg4[%get3A_433, %get3A_434] {strides = array<i32>} : memref<26x128xi32, #tpu.memory_space<vmem>>, vector<16xi32>,
      %sub3A_436 = vector.broadcast %mul3A_424 : i32 to vector<16xi32>
      %sub3A_437 = arith.subi %get3A_435, %sub3A_436 : vector<16xi32>
      %ge3A_438 = arith.constant 0 : i32
      %ge3A_439 = vector.broadcast %ge3A_438 : i32 to vector<16xi32>
      %ge3A_440 = arith.cmpi sge, %sub3A_437, %ge3A_439 : vector<16xi32>
      %lt3A_441 = arith.constant 200 : i32
      %lt3A_442 = vector.broadcast %lt3A_441 : i32 to vector<16xi32>
      %lt3A_443 = arith.cmpi slt, %sub3A_437, %lt3A_442 : vector<16xi32>
      %and3A_444 = arith.andi %ge3A_440, %lt3A_443 : vector<16xi1>
      %max3A_445 = arith.constant 0 : i32
      %max3A_446 = vector.broadcast %max3A_445 : i32 to vector<16xi32>
      %max3A_447 = arith.maxsi %sub3A_437, %max3A_446 : vector<16xi32>
      %min3A_448 = arith.constant 199 : i32
      %min3A_449 = vector.broadcast %min3A_448 : i32 to vector<16xi32>
      %min3A_450 = arith.minsi %max3A_447, %min3A_449 : vector<16xi32>
      tpu.vector_store_idx %arg5[%min3A_450, %add3A_432], %broadcast_in_dim3A_5 masked %and3A_444 : memref<200x128xf32, #tpu.memory_space<vmem>>[vector<16xi32>, vector<16xi32>], vector<16xf32>, vector<16xi1>
      %add3A_451 = arith.constant 16 : i32
      %add3A_452 = vector.broadcast %add3A_451 : i32 to vector<16xi32>
      %add3A_453 = arith.addi %add3A_452, %iota3A : vector<16xi32>
      %get3A_454 = arith.index_cast %select_n3A : i32 to index
      %get3A_455 = arith.constant 16 : index
      %get3A_456 = tpu.vector_load %arg4[%get3A_454, %get3A_455] {strides = array<i32>} : memref<26x128xi32, #tpu.memory_space<vmem>>, vector<16xi32>,
      %sub3A_457 = vector.broadcast %mul3A_424 : i32 to vector<16xi32>
      %sub3A_458 = arith.subi %get3A_456, %sub3A_457 : vector<16xi32>
      %ge3A_459 = arith.constant 0 : i32
      %ge3A_460 = vector.broadcast %ge3A_459 : i32 to vector<16xi32>
      %ge3A_461 = arith.cmpi sge, %sub3A_458, %ge3A_460 : vector<16xi32>
      %lt3A_462 = arith.constant 200 : i32
      %lt3A_463 = vector.broadcast %lt3A_462 : i32 to vector<16xi32>
      %lt3A_464 = arith.cmpi slt, %sub3A_458, %lt3A_463 : vector<16xi32>
      %and3A_465 = arith.andi %ge3A_461, %lt3A_464 : vector<16xi1>
      %max3A_466 = arith.constant 0 : i32
      %max3A_467 = vector.broadcast %max3A_466 : i32 to vector<16xi32>
      %max3A_468 = arith.maxsi %sub3A_458, %max3A_467 : vector<16xi32>
      %min3A_469 = arith.constant 199 : i32
      %min3A_470 = vector.broadcast %min3A_469 : i32 to vector<16xi32>
      %min3A_471 = arith.minsi %max3A_468, %min3A_470 : vector<16xi32>
      tpu.vector_store_idx %arg5[%min3A_471, %add3A_453], %broadcast_in_dim3A_5 masked %and3A_465 : memref<200x128xf32, #tpu.memory_space<vmem>>[vector<16xi32>, vector<16xi32>], vector<16xf32>, vector<16xi1>
      %add3A_472 = arith.constant 32 : i32
      %add3A_473 = vector.broadcast %add3A_472 : i32 to vector<16xi32>
      %add3A_474 = arith.addi %add3A_473, %iota3A : vector<16xi32>
      %get3A_475 = arith.index_cast %select_n3A : i32 to index
      %get3A_476 = arith.constant 32 : index
      %get3A_477 = tpu.vector_load %arg4[%get3A_475, %get3A_476] {strides = array<i32>} : memref<26x128xi32, #tpu.memory_space<vmem>>, vector<16xi32>,
      %sub3A_478 = vector.broadcast %mul3A_424 : i32 to vector<16xi32>
      %sub3A_479 = arith.subi %get3A_477, %sub3A_478 : vector<16xi32>
      %ge3A_480 = arith.constant 0 : i32
      %ge3A_481 = vector.broadcast %ge3A_480 : i32 to vector<16xi32>
      %ge3A_482 = arith.cmpi sge, %sub3A_479, %ge3A_481 : vector<16xi32>
      %lt3A_483 = arith.constant 200 : i32
      %lt3A_484 = vector.broadcast %lt3A_483 : i32 to vector<16xi32>
      %lt3A_485 = arith.cmpi slt, %sub3A_479, %lt3A_484 : vector<16xi32>
      %and3A_486 = arith.andi %ge3A_482, %lt3A_485 : vector<16xi1>
      %max3A_487 = arith.constant 0 : i32
      %max3A_488 = vector.broadcast %max3A_487 : i32 to vector<16xi32>
      %max3A_489 = arith.maxsi %sub3A_479, %max3A_488 : vector<16xi32>
      %min3A_490 = arith.constant 199 : i32
      %min3A_491 = vector.broadcast %min3A_490 : i32 to vector<16xi32>
      %min3A_492 = arith.minsi %max3A_489, %min3A_491 : vector<16xi32>
      tpu.vector_store_idx %arg5[%min3A_492, %add3A_474], %broadcast_in_dim3A_5 masked %and3A_486 : memref<200x128xf32, #tpu.memory_space<vmem>>[vector<16xi32>, vector<16xi32>], vector<16xf32>, vector<16xi1>
      %add3A_493 = arith.constant 48 : i32
      %add3A_494 = vector.broadcast %add3A_493 : i32 to vector<16xi32>
      %add3A_495 = arith.addi %add3A_494, %iota3A : vector<16xi32>
      %get3A_496 = arith.index_cast %select_n3A : i32 to index
      %get3A_497 = arith.constant 48 : index
      %get3A_498 = tpu.vector_load %arg4[%get3A_496, %get3A_497] {strides = array<i32>} : memref<26x128xi32, #tpu.memory_space<vmem>>, vector<16xi32>,
      %sub3A_499 = vector.broadcast %mul3A_424 : i32 to vector<16xi32>
      %sub3A_500 = arith.subi %get3A_498, %sub3A_499 : vector<16xi32>
      %ge3A_501 = arith.constant 0 : i32
      %ge3A_502 = vector.broadcast %ge3A_501 : i32 to vector<16xi32>
      %ge3A_503 = arith.cmpi sge, %sub3A_500, %ge3A_502 : vector<16xi32>
      %lt3A_504 = arith.constant 200 : i32
      %lt3A_505 = vector.broadcast %lt3A_504 : i32 to vector<16xi32>
      %lt3A_506 = arith.cmpi slt, %sub3A_500, %lt3A_505 : vector<16xi32>
      %and3A_507 = arith.andi %ge3A_503, %lt3A_506 : vector<16xi1>
      %max3A_508 = arith.constant 0 : i32
      %max3A_509 = vector.broadcast %max3A_508 : i32 to vector<16xi32>
      %max3A_510 = arith.maxsi %sub3A_500, %max3A_509 : vector<16xi32>
      %min3A_511 = arith.constant 199 : i32
      %min3A_512 = vector.broadcast %min3A_511 : i32 to vector<16xi32>
      %min3A_513 = arith.minsi %max3A_510, %min3A_512 : vector<16xi32>
      tpu.vector_store_idx %arg5[%min3A_513, %add3A_495], %broadcast_in_dim3A_5 masked %and3A_507 : memref<200x128xf32, #tpu.memory_space<vmem>>[vector<16xi32>, vector<16xi32>], vector<16xf32>, vector<16xi1>
      %add3A_514 = arith.constant 64 : i32
      %add3A_515 = vector.broadcast %add3A_514 : i32 to vector<16xi32>
      %add3A_516 = arith.addi %add3A_515, %iota3A : vector<16xi32>
      %get3A_517 = arith.index_cast %select_n3A : i32 to index
      %get3A_518 = arith.constant 64 : index
      %get3A_519 = tpu.vector_load %arg4[%get3A_517, %get3A_518] {strides = array<i32>} : memref<26x128xi32, #tpu.memory_space<vmem>>, vector<16xi32>,
      %sub3A_520 = vector.broadcast %mul3A_424 : i32 to vector<16xi32>
      %sub3A_521 = arith.subi %get3A_519, %sub3A_520 : vector<16xi32>
      %ge3A_522 = arith.constant 0 : i32
      %ge3A_523 = vector.broadcast %ge3A_522 : i32 to vector<16xi32>
      %ge3A_524 = arith.cmpi sge, %sub3A_521, %ge3A_523 : vector<16xi32>
      %lt3A_525 = arith.constant 200 : i32
      %lt3A_526 = vector.broadcast %lt3A_525 : i32 to vector<16xi32>
      %lt3A_527 = arith.cmpi slt, %sub3A_521, %lt3A_526 : vector<16xi32>
      %and3A_528 = arith.andi %ge3A_524, %lt3A_527 : vector<16xi1>
      %max3A_529 = arith.constant 0 : i32
      %max3A_530 = vector.broadcast %max3A_529 : i32 to vector<16xi32>
      %max3A_531 = arith.maxsi %sub3A_521, %max3A_530 : vector<16xi32>
      %min3A_532 = arith.constant 199 : i32
      %min3A_533 = vector.broadcast %min3A_532 : i32 to vector<16xi32>
      %min3A_534 = arith.minsi %max3A_531, %min3A_533 : vector<16xi32>
      tpu.vector_store_idx %arg5[%min3A_534, %add3A_516], %broadcast_in_dim3A_5 masked %and3A_528 : memref<200x128xf32, #tpu.memory_space<vmem>>[vector<16xi32>, vector<16xi32>], vector<16xf32>, vector<16xi1>
      %add3A_535 = arith.constant 80 : i32
      %add3A_536 = vector.broadcast %add3A_535 : i32 to vector<16xi32>
      %add3A_537 = arith.addi %add3A_536, %iota3A : vector<16xi32>
      %get3A_538 = arith.index_cast %select_n3A : i32 to index
      %get3A_539 = arith.constant 80 : index
      %get3A_540 = tpu.vector_load %arg4[%get3A_538, %get3A_539] {strides = array<i32>} : memref<26x128xi32, #tpu.memory_space<vmem>>, vector<16xi32>,
      %sub3A_541 = vector.broadcast %mul3A_424 : i32 to vector<16xi32>
      %sub3A_542 = arith.subi %get3A_540, %sub3A_541 : vector<16xi32>
      %ge3A_543 = arith.constant 0 : i32
      %ge3A_544 = vector.broadcast %ge3A_543 : i32 to vector<16xi32>
      %ge3A_545 = arith.cmpi sge, %sub3A_542, %ge3A_544 : vector<16xi32>
      %lt3A_546 = arith.constant 200 : i32
      %lt3A_547 = vector.broadcast %lt3A_546 : i32 to vector<16xi32>
      %lt3A_548 = arith.cmpi slt, %sub3A_542, %lt3A_547 : vector<16xi32>
      %and3A_549 = arith.andi %ge3A_545, %lt3A_548 : vector<16xi1>
      %max3A_550 = arith.constant 0 : i32
      %max3A_551 = vector.broadcast %max3A_550 : i32 to vector<16xi32>
      %max3A_552 = arith.maxsi %sub3A_542, %max3A_551 : vector<16xi32>
      %min3A_553 = arith.constant 199 : i32
      %min3A_554 = vector.broadcast %min3A_553 : i32 to vector<16xi32>
      %min3A_555 = arith.minsi %max3A_552, %min3A_554 : vector<16xi32>
      tpu.vector_store_idx %arg5[%min3A_555, %add3A_537], %broadcast_in_dim3A_5 masked %and3A_549 : memref<200x128xf32, #tpu.memory_space<vmem>>[vector<16xi32>, vector<16xi32>], vector<16xf32>, vector<16xi1>
      %add3A_556 = arith.constant 96 : i32
      %add3A_557 = vector.broadcast %add3A_556 : i32 to vector<16xi32>
      %add3A_558 = arith.addi %add3A_557, %iota3A : vector<16xi32>
      %get3A_559 = arith.index_cast %select_n3A : i32 to index
      %get3A_560 = arith.constant 96 : index
      %get3A_561 = tpu.vector_load %arg4[%get3A_559, %get3A_560] {strides = array<i32>} : memref<26x128xi32, #tpu.memory_space<vmem>>, vector<16xi32>,
      %sub3A_562 = vector.broadcast %mul3A_424 : i32 to vector<16xi32>
      %sub3A_563 = arith.subi %get3A_561, %sub3A_562 : vector<16xi32>
      %ge3A_564 = arith.constant 0 : i32
      %ge3A_565 = vector.broadcast %ge3A_564 : i32 to vector<16xi32>
      %ge3A_566 = arith.cmpi sge, %sub3A_563, %ge3A_565 : vector<16xi32>
      %lt3A_567 = arith.constant 200 : i32
      %lt3A_568 = vector.broadcast %lt3A_567 : i32 to vector<16xi32>
      %lt3A_569 = arith.cmpi slt, %sub3A_563, %lt3A_568 : vector<16xi32>
      %and3A_570 = arith.andi %ge3A_566, %lt3A_569 : vector<16xi1>
      %max3A_571 = arith.constant 0 : i32
      %max3A_572 = vector.broadcast %max3A_571 : i32 to vector<16xi32>
      %max3A_573 = arith.maxsi %sub3A_563, %max3A_572 : vector<16xi32>
      %min3A_574 = arith.constant 199 : i32
      %min3A_575 = vector.broadcast %min3A_574 : i32 to vector<16xi32>
      %min3A_576 = arith.minsi %max3A_573, %min3A_575 : vector<16xi32>
      tpu.vector_store_idx %arg5[%min3A_576, %add3A_558], %broadcast_in_dim3A_5 masked %and3A_570 : memref<200x128xf32, #tpu.memory_space<vmem>>[vector<16xi32>, vector<16xi32>], vector<16xf32>, vector<16xi1>
      %add3A_577 = arith.constant 112 : i32
      %add3A_578 = vector.broadcast %add3A_577 : i32 to vector<16xi32>
      %add3A_579 = arith.addi %add3A_578, %iota3A : vector<16xi32>
      %get3A_580 = arith.index_cast %select_n3A : i32 to index
      %get3A_581 = arith.constant 112 : index
      %get3A_582 = tpu.vector_load %arg4[%get3A_580, %get3A_581] {strides = array<i32>} : memref<26x128xi32, #tpu.memory_space<vmem>>, vector<16xi32>,
      %sub3A_583 = vector.broadcast %mul3A_424 : i32 to vector<16xi32>
      %sub3A_584 = arith.subi %get3A_582, %sub3A_583 : vector<16xi32>
      %ge3A_585 = arith.constant 0 : i32
      %ge3A_586 = vector.broadcast %ge3A_585 : i32 to vector<16xi32>
      %ge3A_587 = arith.cmpi sge, %sub3A_584, %ge3A_586 : vector<16xi32>
      %lt3A_588 = arith.constant 200 : i32
      %lt3A_589 = vector.broadcast %lt3A_588 : i32 to vector<16xi32>
      %lt3A_590 = arith.cmpi slt, %sub3A_584, %lt3A_589 : vector<16xi32>
      %and3A_591 = arith.andi %ge3A_587, %lt3A_590 : vector<16xi1>
      %max3A_592 = arith.constant 0 : i32
      %max3A_593 = vector.broadcast %max3A_592 : i32 to vector<16xi32>
      %max3A_594 = arith.maxsi %sub3A_584, %max3A_593 : vector<16xi32>
      %min3A_595 = arith.constant 199 : i32
      %min3A_596 = vector.broadcast %min3A_595 : i32 to vector<16xi32>
      %min3A_597 = arith.minsi %max3A_594, %min3A_596 : vector<16xi32>
      tpu.vector_store_idx %arg5[%min3A_597, %add3A_579], %broadcast_in_dim3A_5 masked %and3A_591 : memref<200x128xf32, #tpu.memory_space<vmem>>[vector<16xi32>, vector<16xi32>], vector<16xf32>, vector<16xi1>
      %jit3A_598 = arith.constant 5 : i32
      %div3A_599 = arith.divsi %add3A_399, %jit3A_598 : i32
      %sign3A_600 = arith.constant 0 : i32
      %sign3A_601 = arith.cmpi sgt, %add3A_399, %sign3A_600 : i32
      %sign3A_602 = arith.extui %sign3A_601 : i1 to i32
      %sign3A_603 = arith.constant 0 : i32
      %sign3A_604 = arith.cmpi slt, %add3A_399, %sign3A_603 : i32
      %sign3A_605 = arith.extui %sign3A_604 : i1 to i32
      %sign3A_606 = arith.subi %sign3A_602, %sign3A_605 : i32
      %sign3A_607 = arith.constant 0 : i32
      %sign3A_608 = arith.cmpi sgt, %jit3A_598, %sign3A_607 : i32
      %sign3A_609 = arith.extui %sign3A_608 : i1 to i32
      %sign3A_610 = arith.constant 0 : i32
      %sign3A_611 = arith.cmpi slt, %jit3A_598, %sign3A_610 : i32
      %sign3A_612 = arith.extui %sign3A_611 : i1 to i32
      %sign3A_613 = arith.subi %sign3A_609, %sign3A_612 : i32
      %ne3A_614 = arith.cmpi ne, %sign3A_606, %sign3A_613 : i32
      %rem3A_615 = arith.remsi %add3A_399, %jit3A_598 : i32
      %ne3A_616 = arith.constant 0 : i32
      %ne3A_617 = arith.cmpi ne, %rem3A_615, %ne3A_616 : i32
      %and3A_618 = arith.andi %ne3A_614, %ne3A_617 : i1
      %sub3A_619 = arith.constant 1 : i32
      %sub3A_620 = arith.subi %div3A_599, %sub3A_619 : i32
      %select_n3A_621 = arith.select %and3A_618, %sub3A_620, %div3A_599 : i32
      %mul3A_622 = arith.constant 5 : i32
      %mul3A_623 = arith.muli %mul3A_622, %select_n3A_621 : i32
      %sub3A_624 = arith.subi %add3A_399, %mul3A_623 : i32
      %mul3A_625 = arith.constant 200 : i32
      %mul3A_626 = arith.muli %sub3A_624, %mul3A_625 : i32
      %add3A_627 = arith.constant 0 : i32
      %add3A_628 = vector.broadcast %add3A_627 : i32 to vector<16xi32>
      %add3A_629 = arith.addi %add3A_628, %iota3A : vector<16xi32>
      %get3A_630 = arith.index_cast %select_n3A_621 : i32 to index
      %get3A_631 = arith.constant 0 : index
      %get3A_632 = tpu.vector_load %arg4[%get3A_630, %get3A_631] {strides = array<i32>} : memref<26x128xi32, #tpu.memory_space<vmem>>, vector<16xi32>,
      %sub3A_633 = vector.broadcast %mul3A_626 : i32 to vector<16xi32>
      %sub3A_634 = arith.subi %get3A_632, %sub3A_633 : vector<16xi32>
      %ge3A_635 = arith.constant 0 : i32
      %ge3A_636 = vector.broadcast %ge3A_635 : i32 to vector<16xi32>
      %ge3A_637 = arith.cmpi sge, %sub3A_634, %ge3A_636 : vector<16xi32>
      %lt3A_638 = arith.constant 200 : i32
      %lt3A_639 = vector.broadcast %lt3A_638 : i32 to vector<16xi32>
      %lt3A_640 = arith.cmpi slt, %sub3A_634, %lt3A_639 : vector<16xi32>
      %and3A_641 = arith.andi %ge3A_637, %lt3A_640 : vector<16xi1>
      %max3A_642 = arith.constant 0 : i32
      %max3A_643 = vector.broadcast %max3A_642 : i32 to vector<16xi32>
      %max3A_644 = arith.maxsi %sub3A_634, %max3A_643 : vector<16xi32>
      %min3A_645 = arith.constant 199 : i32
      %min3A_646 = vector.broadcast %min3A_645 : i32 to vector<16xi32>
      %min3A_647 = arith.minsi %max3A_644, %min3A_646 : vector<16xi32>
      tpu.vector_store_idx %arg5[%min3A_647, %add3A_629], %broadcast_in_dim3A_3 masked %and3A_641 : memref<200x128xf32, #tpu.memory_space<vmem>>[vector<16xi32>, vector<16xi32>], vector<16xf32>, vector<16xi1>
      %add3A_648 = arith.constant 16 : i32
      %add3A_649 = vector.broadcast %add3A_648 : i32 to vector<16xi32>
      %add3A_650 = arith.addi %add3A_649, %iota3A : vector<16xi32>
      %get3A_651 = arith.index_cast %select_n3A_621 : i32 to index
      %get3A_652 = arith.constant 16 : index
      %get3A_653 = tpu.vector_load %arg4[%get3A_651, %get3A_652] {strides = array<i32>} : memref<26x128xi32, #tpu.memory_space<vmem>>, vector<16xi32>,
      %sub3A_654 = vector.broadcast %mul3A_626 : i32 to vector<16xi32>
      %sub3A_655 = arith.subi %get3A_653, %sub3A_654 : vector<16xi32>
      %ge3A_656 = arith.constant 0 : i32
      %ge3A_657 = vector.broadcast %ge3A_656 : i32 to vector<16xi32>
      %ge3A_658 = arith.cmpi sge, %sub3A_655, %ge3A_657 : vector<16xi32>
      %lt3A_659 = arith.constant 200 : i32
      %lt3A_660 = vector.broadcast %lt3A_659 : i32 to vector<16xi32>
      %lt3A_661 = arith.cmpi slt, %sub3A_655, %lt3A_660 : vector<16xi32>
      %and3A_662 = arith.andi %ge3A_658, %lt3A_661 : vector<16xi1>
      %max3A_663 = arith.constant 0 : i32
      %max3A_664 = vector.broadcast %max3A_663 : i32 to vector<16xi32>
      %max3A_665 = arith.maxsi %sub3A_655, %max3A_664 : vector<16xi32>
      %min3A_666 = arith.constant 199 : i32
      %min3A_667 = vector.broadcast %min3A_666 : i32 to vector<16xi32>
      %min3A_668 = arith.minsi %max3A_665, %min3A_667 : vector<16xi32>
      tpu.vector_store_idx %arg5[%min3A_668, %add3A_650], %broadcast_in_dim3A_3 masked %and3A_662 : memref<200x128xf32, #tpu.memory_space<vmem>>[vector<16xi32>, vector<16xi32>], vector<16xf32>, vector<16xi1>
      %add3A_669 = arith.constant 32 : i32
      %add3A_670 = vector.broadcast %add3A_669 : i32 to vector<16xi32>
      %add3A_671 = arith.addi %add3A_670, %iota3A : vector<16xi32>
      %get3A_672 = arith.index_cast %select_n3A_621 : i32 to index
      %get3A_673 = arith.constant 32 : index
      %get3A_674 = tpu.vector_load %arg4[%get3A_672, %get3A_673] {strides = array<i32>} : memref<26x128xi32, #tpu.memory_space<vmem>>, vector<16xi32>,
      %sub3A_675 = vector.broadcast %mul3A_626 : i32 to vector<16xi32>
      %sub3A_676 = arith.subi %get3A_674, %sub3A_675 : vector<16xi32>
      %ge3A_677 = arith.constant 0 : i32
      %ge3A_678 = vector.broadcast %ge3A_677 : i32 to vector<16xi32>
      %ge3A_679 = arith.cmpi sge, %sub3A_676, %ge3A_678 : vector<16xi32>
      %lt3A_680 = arith.constant 200 : i32
      %lt3A_681 = vector.broadcast %lt3A_680 : i32 to vector<16xi32>
      %lt3A_682 = arith.cmpi slt, %sub3A_676, %lt3A_681 : vector<16xi32>
      %and3A_683 = arith.andi %ge3A_679, %lt3A_682 : vector<16xi1>
      %max3A_684 = arith.constant 0 : i32
      %max3A_685 = vector.broadcast %max3A_684 : i32 to vector<16xi32>
      %max3A_686 = arith.maxsi %sub3A_676, %max3A_685 : vector<16xi32>
      %min3A_687 = arith.constant 199 : i32
      %min3A_688 = vector.broadcast %min3A_687 : i32 to vector<16xi32>
      %min3A_689 = arith.minsi %max3A_686, %min3A_688 : vector<16xi32>
      tpu.vector_store_idx %arg5[%min3A_689, %add3A_671], %broadcast_in_dim3A_3 masked %and3A_683 : memref<200x128xf32, #tpu.memory_space<vmem>>[vector<16xi32>, vector<16xi32>], vector<16xf32>, vector<16xi1>
      %add3A_690 = arith.constant 48 : i32
      %add3A_691 = vector.broadcast %add3A_690 : i32 to vector<16xi32>
      %add3A_692 = arith.addi %add3A_691, %iota3A : vector<16xi32>
      %get3A_693 = arith.index_cast %select_n3A_621 : i32 to index
      %get3A_694 = arith.constant 48 : index
      %get3A_695 = tpu.vector_load %arg4[%get3A_693, %get3A_694] {strides = array<i32>} : memref<26x128xi32, #tpu.memory_space<vmem>>, vector<16xi32>,
      %sub3A_696 = vector.broadcast %mul3A_626 : i32 to vector<16xi32>
      %sub3A_697 = arith.subi %get3A_695, %sub3A_696 : vector<16xi32>
      %ge3A_698 = arith.constant 0 : i32
      %ge3A_699 = vector.broadcast %ge3A_698 : i32 to vector<16xi32>
      %ge3A_700 = arith.cmpi sge, %sub3A_697, %ge3A_699 : vector<16xi32>
      %lt3A_701 = arith.constant 200 : i32
      %lt3A_702 = vector.broadcast %lt3A_701 : i32 to vector<16xi32>
      %lt3A_703 = arith.cmpi slt, %sub3A_697, %lt3A_702 : vector<16xi32>
      %and3A_704 = arith.andi %ge3A_700, %lt3A_703 : vector<16xi1>
      %max3A_705 = arith.constant 0 : i32
      %max3A_706 = vector.broadcast %max3A_705 : i32 to vector<16xi32>
      %max3A_707 = arith.maxsi %sub3A_697, %max3A_706 : vector<16xi32>
      %min3A_708 = arith.constant 199 : i32
      %min3A_709 = vector.broadcast %min3A_708 : i32 to vector<16xi32>
      %min3A_710 = arith.minsi %max3A_707, %min3A_709 : vector<16xi32>
      tpu.vector_store_idx %arg5[%min3A_710, %add3A_692], %broadcast_in_dim3A_3 masked %and3A_704 : memref<200x128xf32, #tpu.memory_space<vmem>>[vector<16xi32>, vector<16xi32>], vector<16xf32>, vector<16xi1>
      %add3A_711 = arith.constant 64 : i32
      %add3A_712 = vector.broadcast %add3A_711 : i32 to vector<16xi32>
      %add3A_713 = arith.addi %add3A_712, %iota3A : vector<16xi32>
      %get3A_714 = arith.index_cast %select_n3A_621 : i32 to index
      %get3A_715 = arith.constant 64 : index
      %get3A_716 = tpu.vector_load %arg4[%get3A_714, %get3A_715] {strides = array<i32>} : memref<26x128xi32, #tpu.memory_space<vmem>>, vector<16xi32>,
      %sub3A_717 = vector.broadcast %mul3A_626 : i32 to vector<16xi32>
      %sub3A_718 = arith.subi %get3A_716, %sub3A_717 : vector<16xi32>
      %ge3A_719 = arith.constant 0 : i32
      %ge3A_720 = vector.broadcast %ge3A_719 : i32 to vector<16xi32>
      %ge3A_721 = arith.cmpi sge, %sub3A_718, %ge3A_720 : vector<16xi32>
      %lt3A_722 = arith.constant 200 : i32
      %lt3A_723 = vector.broadcast %lt3A_722 : i32 to vector<16xi32>
      %lt3A_724 = arith.cmpi slt, %sub3A_718, %lt3A_723 : vector<16xi32>
      %and3A_725 = arith.andi %ge3A_721, %lt3A_724 : vector<16xi1>
      %max3A_726 = arith.constant 0 : i32
      %max3A_727 = vector.broadcast %max3A_726 : i32 to vector<16xi32>
      %max3A_728 = arith.maxsi %sub3A_718, %max3A_727 : vector<16xi32>
      %min3A_729 = arith.constant 199 : i32
      %min3A_730 = vector.broadcast %min3A_729 : i32 to vector<16xi32>
      %min3A_731 = arith.minsi %max3A_728, %min3A_730 : vector<16xi32>
      tpu.vector_store_idx %arg5[%min3A_731, %add3A_713], %broadcast_in_dim3A_3 masked %and3A_725 : memref<200x128xf32, #tpu.memory_space<vmem>>[vector<16xi32>, vector<16xi32>], vector<16xf32>, vector<16xi1>
      %add3A_732 = arith.constant 80 : i32
      %add3A_733 = vector.broadcast %add3A_732 : i32 to vector<16xi32>
      %add3A_734 = arith.addi %add3A_733, %iota3A : vector<16xi32>
      %get3A_735 = arith.index_cast %select_n3A_621 : i32 to index
      %get3A_736 = arith.constant 80 : index
      %get3A_737 = tpu.vector_load %arg4[%get3A_735, %get3A_736] {strides = array<i32>} : memref<26x128xi32, #tpu.memory_space<vmem>>, vector<16xi32>,
      %sub3A_738 = vector.broadcast %mul3A_626 : i32 to vector<16xi32>
      %sub3A_739 = arith.subi %get3A_737, %sub3A_738 : vector<16xi32>
      %ge3A_740 = arith.constant 0 : i32
      %ge3A_741 = vector.broadcast %ge3A_740 : i32 to vector<16xi32>
      %ge3A_742 = arith.cmpi sge, %sub3A_739, %ge3A_741 : vector<16xi32>
      %lt3A_743 = arith.constant 200 : i32
      %lt3A_744 = vector.broadcast %lt3A_743 : i32 to vector<16xi32>
      %lt3A_745 = arith.cmpi slt, %sub3A_739, %lt3A_744 : vector<16xi32>
      %and3A_746 = arith.andi %ge3A_742, %lt3A_745 : vector<16xi1>
      %max3A_747 = arith.constant 0 : i32
      %max3A_748 = vector.broadcast %max3A_747 : i32 to vector<16xi32>
      %max3A_749 = arith.maxsi %sub3A_739, %max3A_748 : vector<16xi32>
      %min3A_750 = arith.constant 199 : i32
      %min3A_751 = vector.broadcast %min3A_750 : i32 to vector<16xi32>
      %min3A_752 = arith.minsi %max3A_749, %min3A_751 : vector<16xi32>
      tpu.vector_store_idx %arg5[%min3A_752, %add3A_734], %broadcast_in_dim3A_3 masked %and3A_746 : memref<200x128xf32, #tpu.memory_space<vmem>>[vector<16xi32>, vector<16xi32>], vector<16xf32>, vector<16xi1>
      %add3A_753 = arith.constant 96 : i32
      %add3A_754 = vector.broadcast %add3A_753 : i32 to vector<16xi32>
      %add3A_755 = arith.addi %add3A_754, %iota3A : vector<16xi32>
      %get3A_756 = arith.index_cast %select_n3A_621 : i32 to index
      %get3A_757 = arith.constant 96 : index
      %get3A_758 = tpu.vector_load %arg4[%get3A_756, %get3A_757] {strides = array<i32>} : memref<26x128xi32, #tpu.memory_space<vmem>>, vector<16xi32>,
      %sub3A_759 = vector.broadcast %mul3A_626 : i32 to vector<16xi32>
      %sub3A_760 = arith.subi %get3A_758, %sub3A_759 : vector<16xi32>
      %ge3A_761 = arith.constant 0 : i32
      %ge3A_762 = vector.broadcast %ge3A_761 : i32 to vector<16xi32>
      %ge3A_763 = arith.cmpi sge, %sub3A_760, %ge3A_762 : vector<16xi32>
      %lt3A_764 = arith.constant 200 : i32
      %lt3A_765 = vector.broadcast %lt3A_764 : i32 to vector<16xi32>
      %lt3A_766 = arith.cmpi slt, %sub3A_760, %lt3A_765 : vector<16xi32>
      %and3A_767 = arith.andi %ge3A_763, %lt3A_766 : vector<16xi1>
      %max3A_768 = arith.constant 0 : i32
      %max3A_769 = vector.broadcast %max3A_768 : i32 to vector<16xi32>
      %max3A_770 = arith.maxsi %sub3A_760, %max3A_769 : vector<16xi32>
      %min3A_771 = arith.constant 199 : i32
      %min3A_772 = vector.broadcast %min3A_771 : i32 to vector<16xi32>
      %min3A_773 = arith.minsi %max3A_770, %min3A_772 : vector<16xi32>
      tpu.vector_store_idx %arg5[%min3A_773, %add3A_755], %broadcast_in_dim3A_3 masked %and3A_767 : memref<200x128xf32, #tpu.memory_space<vmem>>[vector<16xi32>, vector<16xi32>], vector<16xf32>, vector<16xi1>
      %add3A_774 = arith.constant 112 : i32
      %add3A_775 = vector.broadcast %add3A_774 : i32 to vector<16xi32>
      %add3A_776 = arith.addi %add3A_775, %iota3A : vector<16xi32>
      %get3A_777 = arith.index_cast %select_n3A_621 : i32 to index
      %get3A_778 = arith.constant 112 : index
      %get3A_779 = tpu.vector_load %arg4[%get3A_777, %get3A_778] {strides = array<i32>} : memref<26x128xi32, #tpu.memory_space<vmem>>, vector<16xi32>,
      %sub3A_780 = vector.broadcast %mul3A_626 : i32 to vector<16xi32>
      %sub3A_781 = arith.subi %get3A_779, %sub3A_780 : vector<16xi32>
      %ge3A_782 = arith.constant 0 : i32
      %ge3A_783 = vector.broadcast %ge3A_782 : i32 to vector<16xi32>
      %ge3A_784 = arith.cmpi sge, %sub3A_781, %ge3A_783 : vector<16xi32>
      %lt3A_785 = arith.constant 200 : i32
      %lt3A_786 = vector.broadcast %lt3A_785 : i32 to vector<16xi32>
      %lt3A_787 = arith.cmpi slt, %sub3A_781, %lt3A_786 : vector<16xi32>
      %and3A_788 = arith.andi %ge3A_784, %lt3A_787 : vector<16xi1>
      %max3A_789 = arith.constant 0 : i32
      %max3A_790 = vector.broadcast %max3A_789 : i32 to vector<16xi32>
      %max3A_791 = arith.maxsi %sub3A_781, %max3A_790 : vector<16xi32>
      %min3A_792 = arith.constant 199 : i32
      %min3A_793 = vector.broadcast %min3A_792 : i32 to vector<16xi32>
      %min3A_794 = arith.minsi %max3A_791, %min3A_793 : vector<16xi32>
      tpu.vector_store_idx %arg5[%min3A_794, %add3A_776], %broadcast_in_dim3A_3 masked %and3A_788 : memref<200x128xf32, #tpu.memory_space<vmem>>[vector<16xi32>, vector<16xi32>], vector<16xf32>, vector<16xi1>
      %mul3A_795 = arith.constant 1000 : i32
      %mul3A_796 = arith.muli %select_n3A_621, %mul3A_795 : i32
      %add3A_797 = arith.addi %mul3A_796, %mul3A_626 : i32
      %dma_start3A_798 = tpu.memref_slice %arg3[%add3A_797, %mul3A_2] : memref<26000x4096xf32, #tpu.memory_space<hbm>> -> memref<200x128xf32, #tpu.memory_space<hbm>>
      %dma_start3A_799 = tpu.memref_slice %arg3[%add3A_797, %mul3A_2] : memref<26000x4096xf32, #tpu.memory_space<hbm>> -> memref<200x128xf32, #tpu.memory_space<hbm>>
      tpu.enqueue_dma source(%arg5 : memref<200x128xf32, #tpu.memory_space<vmem>>) target(%dma_start3A_799 : memref<200x128xf32, #tpu.memory_space<hbm>>) target_semaphore(%arg7 : memref<!tpu.dma_semaphore, #tpu.memory_space<semaphore_mem>>)
      %mul3A_800 = arith.constant 2 : i32
      %mul3A_801 = arith.muli %mul3A_800, %scan3A_394 : i32
      %add3A_802 = arith.constant 1 : i32
      %add3A_803 = arith.addi %mul3A_801, %add3A_802 : i32
      %sub3A_804 = arith.constant 2 : i32
      %sub3A_805 = arith.subi %add3A_803, %sub3A_804 : i32
      %jit3A_806 = arith.constant 5 : i32
      %div3A_807 = arith.divsi %sub3A_805, %jit3A_806 : i32
      %sign3A_808 = arith.constant 0 : i32
      %sign3A_809 = arith.cmpi sgt, %sub3A_805, %sign3A_808 : i32
      %sign3A_810 = arith.extui %sign3A_809 : i1 to i32
      %sign3A_811 = arith.constant 0 : i32
      %sign3A_812 = arith.cmpi slt, %sub3A_805, %sign3A_811 : i32
      %sign3A_813 = arith.extui %sign3A_812 : i1 to i32
      %sign3A_814 = arith.subi %sign3A_810, %sign3A_813 : i32
      %sign3A_815 = arith.constant 0 : i32
      %sign3A_816 = arith.cmpi sgt, %jit3A_806, %sign3A_815 : i32
      %sign3A_817 = arith.extui %sign3A_816 : i1 to i32
      %sign3A_818 = arith.constant 0 : i32
      %sign3A_819 = arith.cmpi slt, %jit3A_806, %sign3A_818 : i32
      %sign3A_820 = arith.extui %sign3A_819 : i1 to i32
      %sign3A_821 = arith.subi %sign3A_817, %sign3A_820 : i32
      %ne3A_822 = arith.cmpi ne, %sign3A_814, %sign3A_821 : i32
      %rem3A_823 = arith.remsi %sub3A_805, %jit3A_806 : i32
      %ne3A_824 = arith.constant 0 : i32
      %ne3A_825 = arith.cmpi ne, %rem3A_823, %ne3A_824 : i32
      %and3A_826 = arith.andi %ne3A_822, %ne3A_825 : i1
      %sub3A_827 = arith.constant 1 : i32
      %sub3A_828 = arith.subi %div3A_807, %sub3A_827 : i32
      %select_n3A_829 = arith.select %and3A_826, %sub3A_828, %div3A_807 : i32
      %mul3A_830 = arith.constant 5 : i32
      %mul3A_831 = arith.muli %mul3A_830, %select_n3A_829 : i32
      %sub3A_832 = arith.subi %sub3A_805, %mul3A_831 : i32
      %mul3A_833 = arith.constant 200 : i32
      %mul3A_834 = arith.muli %sub3A_832, %mul3A_833 : i32
      %mul3A_835 = arith.constant 1000 : i32
      %mul3A_836 = arith.muli %select_n3A_829, %mul3A_835 : i32
      %add3A_837 = arith.addi %mul3A_836, %mul3A_834 : i32
      %dma_wait3A_838 = tpu.memref_slice %arg3[%add3A_837, %mul3A_2] : memref<26000x4096xf32, #tpu.memory_space<hbm>> -> memref<200x128xf32, #tpu.memory_space<hbm>>
      %dma_wait3A_839 = tpu.memref_slice %arg3[%add3A_837, %mul3A_2] : memref<26000x4096xf32, #tpu.memory_space<hbm>> -> memref<200x128xf32, #tpu.memory_space<hbm>>
      tpu.wait_dma2 semaphore(%arg8 : memref<!tpu.dma_semaphore, #tpu.memory_space<semaphore_mem>>) src(%arg6 : memref<200x128xf32, #tpu.memory_space<vmem>>) dst(%dma_wait3A_839 : memref<200x128xf32, #tpu.memory_space<hbm>>)
      %add3A_840 = arith.constant 0 : i32
      %add3A_841 = vector.broadcast %add3A_840 : i32 to vector<16xi32>
      %add3A_842 = arith.addi %add3A_841, %iota3A : vector<16xi32>
      %get3A_843 = arith.index_cast %select_n3A_829 : i32 to index
      %get3A_844 = arith.constant 0 : index
      %get3A_845 = tpu.vector_load %arg4[%get3A_843, %get3A_844] {strides = array<i32>} : memref<26x128xi32, #tpu.memory_space<vmem>>, vector<16xi32>,
      %sub3A_846 = vector.broadcast %mul3A_834 : i32 to vector<16xi32>
      %sub3A_847 = arith.subi %get3A_845, %sub3A_846 : vector<16xi32>
      %ge3A_848 = arith.constant 0 : i32
      %ge3A_849 = vector.broadcast %ge3A_848 : i32 to vector<16xi32>
      %ge3A_850 = arith.cmpi sge, %sub3A_847, %ge3A_849 : vector<16xi32>
      %lt3A_851 = arith.constant 200 : i32
      %lt3A_852 = vector.broadcast %lt3A_851 : i32 to vector<16xi32>
      %lt3A_853 = arith.cmpi slt, %sub3A_847, %lt3A_852 : vector<16xi32>
      %and3A_854 = arith.andi %ge3A_850, %lt3A_853 : vector<16xi1>
      %max3A_855 = arith.constant 0 : i32
      %max3A_856 = vector.broadcast %max3A_855 : i32 to vector<16xi32>
      %max3A_857 = arith.maxsi %sub3A_847, %max3A_856 : vector<16xi32>
      %min3A_858 = arith.constant 199 : i32
      %min3A_859 = vector.broadcast %min3A_858 : i32 to vector<16xi32>
      %min3A_860 = arith.minsi %max3A_857, %min3A_859 : vector<16xi32>
      tpu.vector_store_idx %arg6[%min3A_860, %add3A_842], %broadcast_in_dim3A_5 masked %and3A_854 : memref<200x128xf32, #tpu.memory_space<vmem>>[vector<16xi32>, vector<16xi32>], vector<16xf32>, vector<16xi1>
      %add3A_861 = arith.constant 16 : i32
      %add3A_862 = vector.broadcast %add3A_861 : i32 to vector<16xi32>
      %add3A_863 = arith.addi %add3A_862, %iota3A : vector<16xi32>
      %get3A_864 = arith.index_cast %select_n3A_829 : i32 to index
      %get3A_865 = arith.constant 16 : index
      %get3A_866 = tpu.vector_load %arg4[%get3A_864, %get3A_865] {strides = array<i32>} : memref<26x128xi32, #tpu.memory_space<vmem>>, vector<16xi32>,
      %sub3A_867 = vector.broadcast %mul3A_834 : i32 to vector<16xi32>
      %sub3A_868 = arith.subi %get3A_866, %sub3A_867 : vector<16xi32>
      %ge3A_869 = arith.constant 0 : i32
      %ge3A_870 = vector.broadcast %ge3A_869 : i32 to vector<16xi32>
      %ge3A_871 = arith.cmpi sge, %sub3A_868, %ge3A_870 : vector<16xi32>
      %lt3A_872 = arith.constant 200 : i32
      %lt3A_873 = vector.broadcast %lt3A_872 : i32 to vector<16xi32>
      %lt3A_874 = arith.cmpi slt, %sub3A_868, %lt3A_873 : vector<16xi32>
      %and3A_875 = arith.andi %ge3A_871, %lt3A_874 : vector<16xi1>
      %max3A_876 = arith.constant 0 : i32
      %max3A_877 = vector.broadcast %max3A_876 : i32 to vector<16xi32>
      %max3A_878 = arith.maxsi %sub3A_868, %max3A_877 : vector<16xi32>
      %min3A_879 = arith.constant 199 : i32
      %min3A_880 = vector.broadcast %min3A_879 : i32 to vector<16xi32>
      %min3A_881 = arith.minsi %max3A_878, %min3A_880 : vector<16xi32>
      tpu.vector_store_idx %arg6[%min3A_881, %add3A_863], %broadcast_in_dim3A_5 masked %and3A_875 : memref<200x128xf32, #tpu.memory_space<vmem>>[vector<16xi32>, vector<16xi32>], vector<16xf32>, vector<16xi1>
      %add3A_882 = arith.constant 32 : i32
      %add3A_883 = vector.broadcast %add3A_882 : i32 to vector<16xi32>
      %add3A_884 = arith.addi %add3A_883, %iota3A : vector<16xi32>
      %get3A_885 = arith.index_cast %select_n3A_829 : i32 to index
      %get3A_886 = arith.constant 32 : index
      %get3A_887 = tpu.vector_load %arg4[%get3A_885, %get3A_886] {strides = array<i32>} : memref<26x128xi32, #tpu.memory_space<vmem>>, vector<16xi32>,
      %sub3A_888 = vector.broadcast %mul3A_834 : i32 to vector<16xi32>
      %sub3A_889 = arith.subi %get3A_887, %sub3A_888 : vector<16xi32>
      %ge3A_890 = arith.constant 0 : i32
      %ge3A_891 = vector.broadcast %ge3A_890 : i32 to vector<16xi32>
      %ge3A_892 = arith.cmpi sge, %sub3A_889, %ge3A_891 : vector<16xi32>
      %lt3A_893 = arith.constant 200 : i32
      %lt3A_894 = vector.broadcast %lt3A_893 : i32 to vector<16xi32>
      %lt3A_895 = arith.cmpi slt, %sub3A_889, %lt3A_894 : vector<16xi32>
      %and3A_896 = arith.andi %ge3A_892, %lt3A_895 : vector<16xi1>
      %max3A_897 = arith.constant 0 : i32
      %max3A_898 = vector.broadcast %max3A_897 : i32 to vector<16xi32>
      %max3A_899 = arith.maxsi %sub3A_889, %max3A_898 : vector<16xi32>
      %min3A_900 = arith.constant 199 : i32
      %min3A_901 = vector.broadcast %min3A_900 : i32 to vector<16xi32>
      %min3A_902 = arith.minsi %max3A_899, %min3A_901 : vector<16xi32>
      tpu.vector_store_idx %arg6[%min3A_902, %add3A_884], %broadcast_in_dim3A_5 masked %and3A_896 : memref<200x128xf32, #tpu.memory_space<vmem>>[vector<16xi32>, vector<16xi32>], vector<16xf32>, vector<16xi1>
      %add3A_903 = arith.constant 48 : i32
      %add3A_904 = vector.broadcast %add3A_903 : i32 to vector<16xi32>
      %add3A_905 = arith.addi %add3A_904, %iota3A : vector<16xi32>
      %get3A_906 = arith.index_cast %select_n3A_829 : i32 to index
      %get3A_907 = arith.constant 48 : index
      %get3A_908 = tpu.vector_load %arg4[%get3A_906, %get3A_907] {strides = array<i32>} : memref<26x128xi32, #tpu.memory_space<vmem>>, vector<16xi32>,
      %sub3A_909 = vector.broadcast %mul3A_834 : i32 to vector<16xi32>
      %sub3A_910 = arith.subi %get3A_908, %sub3A_909 : vector<16xi32>
      %ge3A_911 = arith.constant 0 : i32
      %ge3A_912 = vector.broadcast %ge3A_911 : i32 to vector<16xi32>
      %ge3A_913 = arith.cmpi sge, %sub3A_910, %ge3A_912 : vector<16xi32>
      %lt3A_914 = arith.constant 200 : i32
      %lt3A_915 = vector.broadcast %lt3A_914 : i32 to vector<16xi32>
      %lt3A_916 = arith.cmpi slt, %sub3A_910, %lt3A_915 : vector<16xi32>
      %and3A_917 = arith.andi %ge3A_913, %lt3A_916 : vector<16xi1>
      %max3A_918 = arith.constant 0 : i32
      %max3A_919 = vector.broadcast %max3A_918 : i32 to vector<16xi32>
      %max3A_920 = arith.maxsi %sub3A_910, %max3A_919 : vector<16xi32>
      %min3A_921 = arith.constant 199 : i32
      %min3A_922 = vector.broadcast %min3A_921 : i32 to vector<16xi32>
      %min3A_923 = arith.minsi %max3A_920, %min3A_922 : vector<16xi32>
      tpu.vector_store_idx %arg6[%min3A_923, %add3A_905], %broadcast_in_dim3A_5 masked %and3A_917 : memref<200x128xf32, #tpu.memory_space<vmem>>[vector<16xi32>, vector<16xi32>], vector<16xf32>, vector<16xi1>
      %add3A_924 = arith.constant 64 : i32
      %add3A_925 = vector.broadcast %add3A_924 : i32 to vector<16xi32>
      %add3A_926 = arith.addi %add3A_925, %iota3A : vector<16xi32>
      %get3A_927 = arith.index_cast %select_n3A_829 : i32 to index
      %get3A_928 = arith.constant 64 : index
      %get3A_929 = tpu.vector_load %arg4[%get3A_927, %get3A_928] {strides = array<i32>} : memref<26x128xi32, #tpu.memory_space<vmem>>, vector<16xi32>,
      %sub3A_930 = vector.broadcast %mul3A_834 : i32 to vector<16xi32>
      %sub3A_931 = arith.subi %get3A_929, %sub3A_930 : vector<16xi32>
      %ge3A_932 = arith.constant 0 : i32
      %ge3A_933 = vector.broadcast %ge3A_932 : i32 to vector<16xi32>
      %ge3A_934 = arith.cmpi sge, %sub3A_931, %ge3A_933 : vector<16xi32>
      %lt3A_935 = arith.constant 200 : i32
      %lt3A_936 = vector.broadcast %lt3A_935 : i32 to vector<16xi32>
      %lt3A_937 = arith.cmpi slt, %sub3A_931, %lt3A_936 : vector<16xi32>
      %and3A_938 = arith.andi %ge3A_934, %lt3A_937 : vector<16xi1>
      %max3A_939 = arith.constant 0 : i32
      %max3A_940 = vector.broadcast %max3A_939 : i32 to vector<16xi32>
      %max3A_941 = arith.maxsi %sub3A_931, %max3A_940 : vector<16xi32>
      %min3A_942 = arith.constant 199 : i32
      %min3A_943 = vector.broadcast %min3A_942 : i32 to vector<16xi32>
      %min3A_944 = arith.minsi %max3A_941, %min3A_943 : vector<16xi32>
      tpu.vector_store_idx %arg6[%min3A_944, %add3A_926], %broadcast_in_dim3A_5 masked %and3A_938 : memref<200x128xf32, #tpu.memory_space<vmem>>[vector<16xi32>, vector<16xi32>], vector<16xf32>, vector<16xi1>
      %add3A_945 = arith.constant 80 : i32
      %add3A_946 = vector.broadcast %add3A_945 : i32 to vector<16xi32>
      %add3A_947 = arith.addi %add3A_946, %iota3A : vector<16xi32>
      %get3A_948 = arith.index_cast %select_n3A_829 : i32 to index
      %get3A_949 = arith.constant 80 : index
      %get3A_950 = tpu.vector_load %arg4[%get3A_948, %get3A_949] {strides = array<i32>} : memref<26x128xi32, #tpu.memory_space<vmem>>, vector<16xi32>,
      %sub3A_951 = vector.broadcast %mul3A_834 : i32 to vector<16xi32>
      %sub3A_952 = arith.subi %get3A_950, %sub3A_951 : vector<16xi32>
      %ge3A_953 = arith.constant 0 : i32
      %ge3A_954 = vector.broadcast %ge3A_953 : i32 to vector<16xi32>
      %ge3A_955 = arith.cmpi sge, %sub3A_952, %ge3A_954 : vector<16xi32>
      %lt3A_956 = arith.constant 200 : i32
      %lt3A_957 = vector.broadcast %lt3A_956 : i32 to vector<16xi32>
      %lt3A_958 = arith.cmpi slt, %sub3A_952, %lt3A_957 : vector<16xi32>
      %and3A_959 = arith.andi %ge3A_955, %lt3A_958 : vector<16xi1>
      %max3A_960 = arith.constant 0 : i32
      %max3A_961 = vector.broadcast %max3A_960 : i32 to vector<16xi32>
      %max3A_962 = arith.maxsi %sub3A_952, %max3A_961 : vector<16xi32>
      %min3A_963 = arith.constant 199 : i32
      %min3A_964 = vector.broadcast %min3A_963 : i32 to vector<16xi32>
      %min3A_965 = arith.minsi %max3A_962, %min3A_964 : vector<16xi32>
      tpu.vector_store_idx %arg6[%min3A_965, %add3A_947], %broadcast_in_dim3A_5 masked %and3A_959 : memref<200x128xf32, #tpu.memory_space<vmem>>[vector<16xi32>, vector<16xi32>], vector<16xf32>, vector<16xi1>
      %add3A_966 = arith.constant 96 : i32
      %add3A_967 = vector.broadcast %add3A_966 : i32 to vector<16xi32>
      %add3A_968 = arith.addi %add3A_967, %iota3A : vector<16xi32>
      %get3A_969 = arith.index_cast %select_n3A_829 : i32 to index
      %get3A_970 = arith.constant 96 : index
      %get3A_971 = tpu.vector_load %arg4[%get3A_969, %get3A_970] {strides = array<i32>} : memref<26x128xi32, #tpu.memory_space<vmem>>, vector<16xi32>,
      %sub3A_972 = vector.broadcast %mul3A_834 : i32 to vector<16xi32>
      %sub3A_973 = arith.subi %get3A_971, %sub3A_972 : vector<16xi32>
      %ge3A_974 = arith.constant 0 : i32
      %ge3A_975 = vector.broadcast %ge3A_974 : i32 to vector<16xi32>
      %ge3A_976 = arith.cmpi sge, %sub3A_973, %ge3A_975 : vector<16xi32>
      %lt3A_977 = arith.constant 200 : i32
      %lt3A_978 = vector.broadcast %lt3A_977 : i32 to vector<16xi32>
      %lt3A_979 = arith.cmpi slt, %sub3A_973, %lt3A_978 : vector<16xi32>
      %and3A_980 = arith.andi %ge3A_976, %lt3A_979 : vector<16xi1>
      %max3A_981 = arith.constant 0 : i32
      %max3A_982 = vector.broadcast %max3A_981 : i32 to vector<16xi32>
      %max3A_983 = arith.maxsi %sub3A_973, %max3A_982 : vector<16xi32>
      %min3A_984 = arith.constant 199 : i32
      %min3A_985 = vector.broadcast %min3A_984 : i32 to vector<16xi32>
      %min3A_986 = arith.minsi %max3A_983, %min3A_985 : vector<16xi32>
      tpu.vector_store_idx %arg6[%min3A_986, %add3A_968], %broadcast_in_dim3A_5 masked %and3A_980 : memref<200x128xf32, #tpu.memory_space<vmem>>[vector<16xi32>, vector<16xi32>], vector<16xf32>, vector<16xi1>
      %add3A_987 = arith.constant 112 : i32
      %add3A_988 = vector.broadcast %add3A_987 : i32 to vector<16xi32>
      %add3A_989 = arith.addi %add3A_988, %iota3A : vector<16xi32>
      %get3A_990 = arith.index_cast %select_n3A_829 : i32 to index
      %get3A_991 = arith.constant 112 : index
      %get3A_992 = tpu.vector_load %arg4[%get3A_990, %get3A_991] {strides = array<i32>} : memref<26x128xi32, #tpu.memory_space<vmem>>, vector<16xi32>,
      %sub3A_993 = vector.broadcast %mul3A_834 : i32 to vector<16xi32>
      %sub3A_994 = arith.subi %get3A_992, %sub3A_993 : vector<16xi32>
      %ge3A_995 = arith.constant 0 : i32
      %ge3A_996 = vector.broadcast %ge3A_995 : i32 to vector<16xi32>
      %ge3A_997 = arith.cmpi sge, %sub3A_994, %ge3A_996 : vector<16xi32>
      %lt3A_998 = arith.constant 200 : i32
      %lt3A_999 = vector.broadcast %lt3A_998 : i32 to vector<16xi32>
      %lt3A_1000 = arith.cmpi slt, %sub3A_994, %lt3A_999 : vector<16xi32>
      %and3A_1001 = arith.andi %ge3A_997, %lt3A_1000 : vector<16xi1>
      %max3A_1002 = arith.constant 0 : i32
      %max3A_1003 = vector.broadcast %max3A_1002 : i32 to vector<16xi32>
      %max3A_1004 = arith.maxsi %sub3A_994, %max3A_1003 : vector<16xi32>
      %min3A_1005 = arith.constant 199 : i32
      %min3A_1006 = vector.broadcast %min3A_1005 : i32 to vector<16xi32>
      %min3A_1007 = arith.minsi %max3A_1004, %min3A_1006 : vector<16xi32>
      tpu.vector_store_idx %arg6[%min3A_1007, %add3A_989], %broadcast_in_dim3A_5 masked %and3A_1001 : memref<200x128xf32, #tpu.memory_space<vmem>>[vector<16xi32>, vector<16xi32>], vector<16xf32>, vector<16xi1>
      %jit3A_1008 = arith.constant 5 : i32
      %div3A_1009 = arith.divsi %add3A_803, %jit3A_1008 : i32
      %sign3A_1010 = arith.constant 0 : i32
      %sign3A_1011 = arith.cmpi sgt, %add3A_803, %sign3A_1010 : i32
      %sign3A_1012 = arith.extui %sign3A_1011 : i1 to i32
      %sign3A_1013 = arith.constant 0 : i32
      %sign3A_1014 = arith.cmpi slt, %add3A_803, %sign3A_1013 : i32
      %sign3A_1015 = arith.extui %sign3A_1014 : i1 to i32
      %sign3A_1016 = arith.subi %sign3A_1012, %sign3A_1015 : i32
      %sign3A_1017 = arith.constant 0 : i32
      %sign3A_1018 = arith.cmpi sgt, %jit3A_1008, %sign3A_1017 : i32
      %sign3A_1019 = arith.extui %sign3A_1018 : i1 to i32
      %sign3A_1020 = arith.constant 0 : i32
      %sign3A_1021 = arith.cmpi slt, %jit3A_1008, %sign3A_1020 : i32
      %sign3A_1022 = arith.extui %sign3A_1021 : i1 to i32
      %sign3A_1023 = arith.subi %sign3A_1019, %sign3A_1022 : i32
      %ne3A_1024 = arith.cmpi ne, %sign3A_1016, %sign3A_1023 : i32
      %rem3A_1025 = arith.remsi %add3A_803, %jit3A_1008 : i32
      %ne3A_1026 = arith.constant 0 : i32
      %ne3A_1027 = arith.cmpi ne, %rem3A_1025, %ne3A_1026 : i32
      %and3A_1028 = arith.andi %ne3A_1024, %ne3A_1027 : i1
      %sub3A_1029 = arith.constant 1 : i32
      %sub3A_1030 = arith.subi %div3A_1009, %sub3A_1029 : i32
      %select_n3A_1031 = arith.select %and3A_1028, %sub3A_1030, %div3A_1009 : i32
      %mul3A_1032 = arith.constant 5 : i32
      %mul3A_1033 = arith.muli %mul3A_1032, %select_n3A_1031 : i32
      %sub3A_1034 = arith.subi %add3A_803, %mul3A_1033 : i32
      %mul3A_1035 = arith.constant 200 : i32
      %mul3A_1036 = arith.muli %sub3A_1034, %mul3A_1035 : i32
      %add3A_1037 = arith.constant 0 : i32
      %add3A_1038 = vector.broadcast %add3A_1037 : i32 to vector<16xi32>
      %add3A_1039 = arith.addi %add3A_1038, %iota3A : vector<16xi32>
      %get3A_1040 = arith.index_cast %select_n3A_1031 : i32 to index
      %get3A_1041 = arith.constant 0 : index
      %get3A_1042 = tpu.vector_load %arg4[%get3A_1040, %get3A_1041] {strides = array<i32>} : memref<26x128xi32, #tpu.memory_space<vmem>>, vector<16xi32>,
      %sub3A_1043 = vector.broadcast %mul3A_1036 : i32 to vector<16xi32>
      %sub3A_1044 = arith.subi %get3A_1042, %sub3A_1043 : vector<16xi32>
      %ge3A_1045 = arith.constant 0 : i32
      %ge3A_1046 = vector.broadcast %ge3A_1045 : i32 to vector<16xi32>
      %ge3A_1047 = arith.cmpi sge, %sub3A_1044, %ge3A_1046 : vector<16xi32>
      %lt3A_1048 = arith.constant 200 : i32
      %lt3A_1049 = vector.broadcast %lt3A_1048 : i32 to vector<16xi32>
      %lt3A_1050 = arith.cmpi slt, %sub3A_1044, %lt3A_1049 : vector<16xi32>
      %and3A_1051 = arith.andi %ge3A_1047, %lt3A_1050 : vector<16xi1>
      %max3A_1052 = arith.constant 0 : i32
      %max3A_1053 = vector.broadcast %max3A_1052 : i32 to vector<16xi32>
      %max3A_1054 = arith.maxsi %sub3A_1044, %max3A_1053 : vector<16xi32>
      %min3A_1055 = arith.constant 199 : i32
      %min3A_1056 = vector.broadcast %min3A_1055 : i32 to vector<16xi32>
      %min3A_1057 = arith.minsi %max3A_1054, %min3A_1056 : vector<16xi32>
      tpu.vector_store_idx %arg6[%min3A_1057, %add3A_1039], %broadcast_in_dim3A_3 masked %and3A_1051 : memref<200x128xf32, #tpu.memory_space<vmem>>[vector<16xi32>, vector<16xi32>], vector<16xf32>, vector<16xi1>
      %add3A_1058 = arith.constant 16 : i32
      %add3A_1059 = vector.broadcast %add3A_1058 : i32 to vector<16xi32>
      %add3A_1060 = arith.addi %add3A_1059, %iota3A : vector<16xi32>
      %get3A_1061 = arith.index_cast %select_n3A_1031 : i32 to index
      %get3A_1062 = arith.constant 16 : index
      %get3A_1063 = tpu.vector_load %arg4[%get3A_1061, %get3A_1062] {strides = array<i32>} : memref<26x128xi32, #tpu.memory_space<vmem>>, vector<16xi32>,
      %sub3A_1064 = vector.broadcast %mul3A_1036 : i32 to vector<16xi32>
      %sub3A_1065 = arith.subi %get3A_1063, %sub3A_1064 : vector<16xi32>
      %ge3A_1066 = arith.constant 0 : i32
      %ge3A_1067 = vector.broadcast %ge3A_1066 : i32 to vector<16xi32>
      %ge3A_1068 = arith.cmpi sge, %sub3A_1065, %ge3A_1067 : vector<16xi32>
      %lt3A_1069 = arith.constant 200 : i32
      %lt3A_1070 = vector.broadcast %lt3A_1069 : i32 to vector<16xi32>
      %lt3A_1071 = arith.cmpi slt, %sub3A_1065, %lt3A_1070 : vector<16xi32>
      %and3A_1072 = arith.andi %ge3A_1068, %lt3A_1071 : vector<16xi1>
      %max3A_1073 = arith.constant 0 : i32
      %max3A_1074 = vector.broadcast %max3A_1073 : i32 to vector<16xi32>
      %max3A_1075 = arith.maxsi %sub3A_1065, %max3A_1074 : vector<16xi32>
      %min3A_1076 = arith.constant 199 : i32
      %min3A_1077 = vector.broadcast %min3A_1076 : i32 to vector<16xi32>
      %min3A_1078 = arith.minsi %max3A_1075, %min3A_1077 : vector<16xi32>
      tpu.vector_store_idx %arg6[%min3A_1078, %add3A_1060], %broadcast_in_dim3A_3 masked %and3A_1072 : memref<200x128xf32, #tpu.memory_space<vmem>>[vector<16xi32>, vector<16xi32>], vector<16xf32>, vector<16xi1>
      %add3A_1079 = arith.constant 32 : i32
      %add3A_1080 = vector.broadcast %add3A_1079 : i32 to vector<16xi32>
      %add3A_1081 = arith.addi %add3A_1080, %iota3A : vector<16xi32>
      %get3A_1082 = arith.index_cast %select_n3A_1031 : i32 to index
      %get3A_1083 = arith.constant 32 : index
      %get3A_1084 = tpu.vector_load %arg4[%get3A_1082, %get3A_1083] {strides = array<i32>} : memref<26x128xi32, #tpu.memory_space<vmem>>, vector<16xi32>,
      %sub3A_1085 = vector.broadcast %mul3A_1036 : i32 to vector<16xi32>
      %sub3A_1086 = arith.subi %get3A_1084, %sub3A_1085 : vector<16xi32>
      %ge3A_1087 = arith.constant 0 : i32
      %ge3A_1088 = vector.broadcast %ge3A_1087 : i32 to vector<16xi32>
      %ge3A_1089 = arith.cmpi sge, %sub3A_1086, %ge3A_1088 : vector<16xi32>
      %lt3A_1090 = arith.constant 200 : i32
      %lt3A_1091 = vector.broadcast %lt3A_1090 : i32 to vector<16xi32>
      %lt3A_1092 = arith.cmpi slt, %sub3A_1086, %lt3A_1091 : vector<16xi32>
      %and3A_1093 = arith.andi %ge3A_1089, %lt3A_1092 : vector<16xi1>
      %max3A_1094 = arith.constant 0 : i32
      %max3A_1095 = vector.broadcast %max3A_1094 : i32 to vector<16xi32>
      %max3A_1096 = arith.maxsi %sub3A_1086, %max3A_1095 : vector<16xi32>
      %min3A_1097 = arith.constant 199 : i32
      %min3A_1098 = vector.broadcast %min3A_1097 : i32 to vector<16xi32>
      %min3A_1099 = arith.minsi %max3A_1096, %min3A_1098 : vector<16xi32>
      tpu.vector_store_idx %arg6[%min3A_1099, %add3A_1081], %broadcast_in_dim3A_3 masked %and3A_1093 : memref<200x128xf32, #tpu.memory_space<vmem>>[vector<16xi32>, vector<16xi32>], vector<16xf32>, vector<16xi1>
      %add3A_1100 = arith.constant 48 : i32
      %add3A_1101 = vector.broadcast %add3A_1100 : i32 to vector<16xi32>
      %add3A_1102 = arith.addi %add3A_1101, %iota3A : vector<16xi32>
      %get3A_1103 = arith.index_cast %select_n3A_1031 : i32 to index
      %get3A_1104 = arith.constant 48 : index
      %get3A_1105 = tpu.vector_load %arg4[%get3A_1103, %get3A_1104] {strides = array<i32>} : memref<26x128xi32, #tpu.memory_space<vmem>>, vector<16xi32>,
      %sub3A_1106 = vector.broadcast %mul3A_1036 : i32 to vector<16xi32>
      %sub3A_1107 = arith.subi %get3A_1105, %sub3A_1106 : vector<16xi32>
      %ge3A_1108 = arith.constant 0 : i32
      %ge3A_1109 = vector.broadcast %ge3A_1108 : i32 to vector<16xi32>
      %ge3A_1110 = arith.cmpi sge, %sub3A_1107, %ge3A_1109 : vector<16xi32>
      %lt3A_1111 = arith.constant 200 : i32
      %lt3A_1112 = vector.broadcast %lt3A_1111 : i32 to vector<16xi32>
      %lt3A_1113 = arith.cmpi slt, %sub3A_1107, %lt3A_1112 : vector<16xi32>
      %and3A_1114 = arith.andi %ge3A_1110, %lt3A_1113 : vector<16xi1>
      %max3A_1115 = arith.constant 0 : i32
      %max3A_1116 = vector.broadcast %max3A_1115 : i32 to vector<16xi32>
      %max3A_1117 = arith.maxsi %sub3A_1107, %max3A_1116 : vector<16xi32>
      %min3A_1118 = arith.constant 199 : i32
      %min3A_1119 = vector.broadcast %min3A_1118 : i32 to vector<16xi32>
      %min3A_1120 = arith.minsi %max3A_1117, %min3A_1119 : vector<16xi32>
      tpu.vector_store_idx %arg6[%min3A_1120, %add3A_1102], %broadcast_in_dim3A_3 masked %and3A_1114 : memref<200x128xf32, #tpu.memory_space<vmem>>[vector<16xi32>, vector<16xi32>], vector<16xf32>, vector<16xi1>
      %add3A_1121 = arith.constant 64 : i32
      %add3A_1122 = vector.broadcast %add3A_1121 : i32 to vector<16xi32>
      %add3A_1123 = arith.addi %add3A_1122, %iota3A : vector<16xi32>
      %get3A_1124 = arith.index_cast %select_n3A_1031 : i32 to index
      %get3A_1125 = arith.constant 64 : index
      %get3A_1126 = tpu.vector_load %arg4[%get3A_1124, %get3A_1125] {strides = array<i32>} : memref<26x128xi32, #tpu.memory_space<vmem>>, vector<16xi32>,
      %sub3A_1127 = vector.broadcast %mul3A_1036 : i32 to vector<16xi32>
      %sub3A_1128 = arith.subi %get3A_1126, %sub3A_1127 : vector<16xi32>
      %ge3A_1129 = arith.constant 0 : i32
      %ge3A_1130 = vector.broadcast %ge3A_1129 : i32 to vector<16xi32>
      %ge3A_1131 = arith.cmpi sge, %sub3A_1128, %ge3A_1130 : vector<16xi32>
      %lt3A_1132 = arith.constant 200 : i32
      %lt3A_1133 = vector.broadcast %lt3A_1132 : i32 to vector<16xi32>
      %lt3A_1134 = arith.cmpi slt, %sub3A_1128, %lt3A_1133 : vector<16xi32>
      %and3A_1135 = arith.andi %ge3A_1131, %lt3A_1134 : vector<16xi1>
      %max3A_1136 = arith.constant 0 : i32
      %max3A_1137 = vector.broadcast %max3A_1136 : i32 to vector<16xi32>
      %max3A_1138 = arith.maxsi %sub3A_1128, %max3A_1137 : vector<16xi32>
      %min3A_1139 = arith.constant 199 : i32
      %min3A_1140 = vector.broadcast %min3A_1139 : i32 to vector<16xi32>
      %min3A_1141 = arith.minsi %max3A_1138, %min3A_1140 : vector<16xi32>
      tpu.vector_store_idx %arg6[%min3A_1141, %add3A_1123], %broadcast_in_dim3A_3 masked %and3A_1135 : memref<200x128xf32, #tpu.memory_space<vmem>>[vector<16xi32>, vector<16xi32>], vector<16xf32>, vector<16xi1>
      %add3A_1142 = arith.constant 80 : i32
      %add3A_1143 = vector.broadcast %add3A_1142 : i32 to vector<16xi32>
      %add3A_1144 = arith.addi %add3A_1143, %iota3A : vector<16xi32>
      %get3A_1145 = arith.index_cast %select_n3A_1031 : i32 to index
      %get3A_1146 = arith.constant 80 : index
      %get3A_1147 = tpu.vector_load %arg4[%get3A_1145, %get3A_1146] {strides = array<i32>} : memref<26x128xi32, #tpu.memory_space<vmem>>, vector<16xi32>,
      %sub3A_1148 = vector.broadcast %mul3A_1036 : i32 to vector<16xi32>
      %sub3A_1149 = arith.subi %get3A_1147, %sub3A_1148 : vector<16xi32>
      %ge3A_1150 = arith.constant 0 : i32
      %ge3A_1151 = vector.broadcast %ge3A_1150 : i32 to vector<16xi32>
      %ge3A_1152 = arith.cmpi sge, %sub3A_1149, %ge3A_1151 : vector<16xi32>
      %lt3A_1153 = arith.constant 200 : i32
      %lt3A_1154 = vector.broadcast %lt3A_1153 : i32 to vector<16xi32>
      %lt3A_1155 = arith.cmpi slt, %sub3A_1149, %lt3A_1154 : vector<16xi32>
      %and3A_1156 = arith.andi %ge3A_1152, %lt3A_1155 : vector<16xi1>
      %max3A_1157 = arith.constant 0 : i32
      %max3A_1158 = vector.broadcast %max3A_1157 : i32 to vector<16xi32>
      %max3A_1159 = arith.maxsi %sub3A_1149, %max3A_1158 : vector<16xi32>
      %min3A_1160 = arith.constant 199 : i32
      %min3A_1161 = vector.broadcast %min3A_1160 : i32 to vector<16xi32>
      %min3A_1162 = arith.minsi %max3A_1159, %min3A_1161 : vector<16xi32>
      tpu.vector_store_idx %arg6[%min3A_1162, %add3A_1144], %broadcast_in_dim3A_3 masked %and3A_1156 : memref<200x128xf32, #tpu.memory_space<vmem>>[vector<16xi32>, vector<16xi32>], vector<16xf32>, vector<16xi1>
      %add3A_1163 = arith.constant 96 : i32
      %add3A_1164 = vector.broadcast %add3A_1163 : i32 to vector<16xi32>
      %add3A_1165 = arith.addi %add3A_1164, %iota3A : vector<16xi32>
      %get3A_1166 = arith.index_cast %select_n3A_1031 : i32 to index
      %get3A_1167 = arith.constant 96 : index
      %get3A_1168 = tpu.vector_load %arg4[%get3A_1166, %get3A_1167] {strides = array<i32>} : memref<26x128xi32, #tpu.memory_space<vmem>>, vector<16xi32>,
      %sub3A_1169 = vector.broadcast %mul3A_1036 : i32 to vector<16xi32>
      %sub3A_1170 = arith.subi %get3A_1168, %sub3A_1169 : vector<16xi32>
      %ge3A_1171 = arith.constant 0 : i32
      %ge3A_1172 = vector.broadcast %ge3A_1171 : i32 to vector<16xi32>
      %ge3A_1173 = arith.cmpi sge, %sub3A_1170, %ge3A_1172 : vector<16xi32>
      %lt3A_1174 = arith.constant 200 : i32
      %lt3A_1175 = vector.broadcast %lt3A_1174 : i32 to vector<16xi32>
      %lt3A_1176 = arith.cmpi slt, %sub3A_1170, %lt3A_1175 : vector<16xi32>
      %and3A_1177 = arith.andi %ge3A_1173, %lt3A_1176 : vector<16xi1>
      %max3A_1178 = arith.constant 0 : i32
      %max3A_1179 = vector.broadcast %max3A_1178 : i32 to vector<16xi32>
      %max3A_1180 = arith.maxsi %sub3A_1170, %max3A_1179 : vector<16xi32>
      %min3A_1181 = arith.constant 199 : i32
      %min3A_1182 = vector.broadcast %min3A_1181 : i32 to vector<16xi32>
      %min3A_1183 = arith.minsi %max3A_1180, %min3A_1182 : vector<16xi32>
      tpu.vector_store_idx %arg6[%min3A_1183, %add3A_1165], %broadcast_in_dim3A_3 masked %and3A_1177 : memref<200x128xf32, #tpu.memory_space<vmem>>[vector<16xi32>, vector<16xi32>], vector<16xf32>, vector<16xi1>
      %add3A_1184 = arith.constant 112 : i32
      %add3A_1185 = vector.broadcast %add3A_1184 : i32 to vector<16xi32>
      %add3A_1186 = arith.addi %add3A_1185, %iota3A : vector<16xi32>
      %get3A_1187 = arith.index_cast %select_n3A_1031 : i32 to index
      %get3A_1188 = arith.constant 112 : index
      %get3A_1189 = tpu.vector_load %arg4[%get3A_1187, %get3A_1188] {strides = array<i32>} : memref<26x128xi32, #tpu.memory_space<vmem>>, vector<16xi32>,
      %sub3A_1190 = vector.broadcast %mul3A_1036 : i32 to vector<16xi32>
      %sub3A_1191 = arith.subi %get3A_1189, %sub3A_1190 : vector<16xi32>
      %ge3A_1192 = arith.constant 0 : i32
      %ge3A_1193 = vector.broadcast %ge3A_1192 : i32 to vector<16xi32>
      %ge3A_1194 = arith.cmpi sge, %sub3A_1191, %ge3A_1193 : vector<16xi32>
      %lt3A_1195 = arith.constant 200 : i32
      %lt3A_1196 = vector.broadcast %lt3A_1195 : i32 to vector<16xi32>
      %lt3A_1197 = arith.cmpi slt, %sub3A_1191, %lt3A_1196 : vector<16xi32>
      %and3A_1198 = arith.andi %ge3A_1194, %lt3A_1197 : vector<16xi1>
      %max3A_1199 = arith.constant 0 : i32
      %max3A_1200 = vector.broadcast %max3A_1199 : i32 to vector<16xi32>
      %max3A_1201 = arith.maxsi %sub3A_1191, %max3A_1200 : vector<16xi32>
      %min3A_1202 = arith.constant 199 : i32
      %min3A_1203 = vector.broadcast %min3A_1202 : i32 to vector<16xi32>
      %min3A_1204 = arith.minsi %max3A_1201, %min3A_1203 : vector<16xi32>
      tpu.vector_store_idx %arg6[%min3A_1204, %add3A_1186], %broadcast_in_dim3A_3 masked %and3A_1198 : memref<200x128xf32, #tpu.memory_space<vmem>>[vector<16xi32>, vector<16xi32>], vector<16xf32>, vector<16xi1>
      %mul3A_1205 = arith.constant 1000 : i32
      %mul3A_1206 = arith.muli %select_n3A_1031, %mul3A_1205 : i32
      %add3A_1207 = arith.addi %mul3A_1206, %mul3A_1036 : i32
      %dma_start3A_1208 = tpu.memref_slice %arg3[%add3A_1207, %mul3A_2] : memref<26000x4096xf32, #tpu.memory_space<hbm>> -> memref<200x128xf32, #tpu.memory_space<hbm>>
      %dma_start3A_1209 = tpu.memref_slice %arg3[%add3A_1207, %mul3A_2] : memref<26000x4096xf32, #tpu.memory_space<hbm>> -> memref<200x128xf32, #tpu.memory_space<hbm>>
      tpu.enqueue_dma source(%arg6 : memref<200x128xf32, #tpu.memory_space<vmem>>) target(%dma_start3A_1209 : memref<200x128xf32, #tpu.memory_space<hbm>>) target_semaphore(%arg8 : memref<!tpu.dma_semaphore, #tpu.memory_space<semaphore_mem>>)
      %scan3A_1210 = arith.constant 0 : i32
      scf.yield %scan3A_1210 : i32
    }
    %scan3A_386 = arith.constant 64 : i32
    %dma_wait3A = arith.constant 25600 : i32
    %dma_wait3A_387 = tpu.memref_slice %arg3[%dma_wait3A, %mul3A_2] : memref<26000x4096xf32, #tpu.memory_space<hbm>> -> memref<200x128xf32, #tpu.memory_space<hbm>>
    %dma_wait3A_388 = arith.constant 25600 : i32
    %dma_wait3A_389 = tpu.memref_slice %arg3[%dma_wait3A_388, %mul3A_2] : memref<26000x4096xf32, #tpu.memory_space<hbm>> -> memref<200x128xf32, #tpu.memory_space<hbm>>
    tpu.wait_dma2 semaphore(%arg7 : memref<!tpu.dma_semaphore, #tpu.memory_space<semaphore_mem>>) src(%arg5 : memref<200x128xf32, #tpu.memory_space<vmem>>) dst(%dma_wait3A_389 : memref<200x128xf32, #tpu.memory_space<hbm>>)
    %dma_wait3A_390 = arith.constant 25800 : i32
    %dma_wait3A_391 = tpu.memref_slice %arg3[%dma_wait3A_390, %mul3A_2] : memref<26000x4096xf32, #tpu.memory_space<hbm>> -> memref<200x128xf32, #tpu.memory_space<hbm>>
    %dma_wait3A_392 = arith.constant 25800 : i32
    %dma_wait3A_393 = tpu.memref_slice %arg3[%dma_wait3A_392, %mul3A_2] : memref<26000x4096xf32, #tpu.memory_space<hbm>> -> memref<200x128xf32, #tpu.memory_space<hbm>>
    tpu.wait_dma2 semaphore(%arg8 : memref<!tpu.dma_semaphore, #tpu.memory_space<semaphore_mem>>) src(%arg6 : memref<200x128xf32, #tpu.memory_space<vmem>>) dst(%dma_wait3A_393 : memref<200x128xf32, #tpu.memory_space<hbm>>)
    return
  }
}

</mosaic_0001>

<sc_bundles>
// kernel: kernel.3.cloned.1.call-start
scs
__scs_entry_jumppad:
0x0: {  	(pc) =	sbr.rel $0x88, $3  }
0x1: {  	(tag) =	ssettag $0x0;
	lr =	simm.s32 $0x1  }
0x2: {  	[smem:$0x3FA0] =	sst lr;
	_ =	strace $0xD0000000  }
0x3: {  	_ = 	snop  }
0x4: {  	_ = 	snop  }
0x5: {  	_ = 	snop  }
0x6: {  	_ = 	snop  }
0x7: {  	_ = 	snop  }
__scs_overlays_trampoline_lowered:
0x8: {  	[smem:$0x3FAF] =	sst s0  }
0x9: {  	[smem:$0x3FB0] =	sst s1  }
0xa: {  	[smem:$0x3FB1] =	sst s2  }
0xb: {  	[smem:$0x3FB2] =	sst s3  }
0xc: {  	[smem:$0x3FB3] =	sst s4  }
0xd: {  	[smem:$0x3FB4] =	sst s5  }
0xe: {  	[smem:$0x3FB5] =	sst s6  }
0xf: {  	[smem:$0x3FB6] =	sst s7  }
0x10: {  	[smem:$0x3FB7] =	sst s8  }
0x11: {  	[smem:$0x3FB8] =	sst s9;
	s0 =	simm.s32 @!p0 $0x0  }
0x12: {  	s1 =	sld [smem:$0x3F9E];
	s0 =	simm.s32 @p0 $0x1  }
0x13: {  	[smem:$0x3FB9] =	sst s0;
	s0 =	simm.s32 @!p1 $0x0  }
0x14: {  	s2 =	sld [smem:$0x3F9D];
	s0 =	simm.s32 @p1 $0x1  }
0x15: {  	[smem:$0x3FBA] =	sst s0;
	s0 =	simm.s32 @!p2 $0x0  }
0x16: {  	s3 =	sld [smem:$0x3FDB];
	s0 =	simm.s32 @p2 $0x1  }
0x17: {  	s4 =	simm.s32 $0x1BF5;
	[smem:$0x3FBC] =	sst s0  }
0x18: {  	s0 =	sld [smem:$0x3F9F];
	_ =	swait.ge [sflag:s4], $0x0  }
0x19: {  	s7 =	sld [smem:$0x3FA0]  }
0x1a: {  	s8 =	sadd.s32 $0xFFFFE003, lr  }
0x1b: {  	s9 =	sadd.s32 $0xFFFFFEF7, lr;
	s5 =	simm.s32 $0xFFFFFFFF;
	p2 =	slt.u32 s8, $0xFFFFF086  }
0x1c: {  	p1 =	slt.u32 s9, $0xF7A;
	s5 =	simm.s32 @!p2 $0x0  }
0x1d: {  	s5 =	simm.s32 @p1 $0x1;
	p0 =	seq.s32 s7, s2  }
0x1e: {  	s7 =	smul.u32 @!p0 $0xF7A, s2;
	p2 =	seq.s32 @!p0 s5, $0x0  }
0x1f: {  	s9 =	smul.u32 $0xF7A, s1;
	s8 =	simm.s32 @!p0 $0x1BF5;
	p2 =	por !p2, p0  }
0x20: {  	[sflag:s8] =	ssyncset.s32 @!p0 $0xFFFFF086;
	s6 =	sadd.s32 @!p0 s3, s7;
	s7 =	simm.s32 @!p0 $0x108  }
0x21: {  	s3 =	sadd.s32 s3, s9;
	s6 =	sadd.s32 @!p0 $0x88, s6;
	s7 =	simm.s32 @p2 $0x1082  }
0x22: {  	[simem:s7], [sflag:s8] =	dma.local @!p0 [hbm:s6], $0xF7A  }
0x23: {  	s9 =	sor.u32 $0xD0000000, s2;
	s6 =	simm.s32 $0x108;
	_ =	swait.ge @!p0 [sflag:s8], $0x0  }
0x24: {  	s3 =	sadd.s32 $0x88, s3;
	s6 =	simm.s32 @!p1 $0x1082;
	[sflag:s4] =	ssyncset.s32 $0xFFFFF086  }
0x25: {  	[simem:s6], [sflag:s4] =	dma.local [hbm:s3], $0xF7A  }
0x26: {  	[smem:$0x3FA0] =	sst s1;
	(tag) =	ssettag s2;
	_ =	strace s9  }
0x27: {  	s1 =	sld [smem:$0x3FB0]  }
0x28: {  	s2 =	sld [smem:$0x3FB1]  }
0x29: {  	s4 =	sld [smem:$0x3FB3]  }
0x2a: {  	p0 =	seq.s32 s5, $0x0;
	s5 =	sld [smem:$0x3FB4]  }
0x2b: {  	s6 =	sld [smem:$0x3FB5]  }
0x2c: {  	s7 =	sld [smem:$0x3FB6]  }
0x2d: {  	s3 =	simm.s32 $0x108;
	s8 =	sld [smem:$0x3FB7]  }
0x2e: {  	s3 =	simm.s32 @!p0 $0x1082;
	s9 =	sld [smem:$0x3FB8]  }
0x2f: {  	lr =	sadd.s32 s0, s3;
	s0 =	sld [smem:$0x3FAF]  }
0x30: {  	s3 =	sld [smem:$0x3FB2]  }
0x31: {  	[smem:$0x3FBB] =	sst s10  }
0x32: {  	s10 =	sld [smem:$0x3FB9];
	_ =	sdelay $0x3  }
0x33: {  	p0 =	seq.s32 s10, $0x1;
	s10 =	sld [smem:$0x3FBB];
	_ =	sdelay $0x3  }
0x34: {  	[smem:$0x3FBB] =	sst s10  }
0x35: {  	s10 =	sld [smem:$0x3FBA];
	_ =	sdelay $0x3  }
0x36: {  	p1 =	seq.s32 s10, $0x1;
	s10 =	sld [smem:$0x3FBB];
	_ =	sdelay $0x3  }
0x37: {  	[smem:$0x3FBB] =	sst s10  }
0x38: {  	s10 =	sld [smem:$0x3FBC]  }
0x39: {  	_ = 	snop;
	(pc) =	sbr.ind lr, $3  }
0x3a: {  	_ = 	snop  }
0x3b: {  	_ = 	snop  }
0x3c: {  	p2 =	seq.s32 s10, $0x1;
	s10 =	sld [smem:$0x3FBB]  }
0x3d: {  	_ =	shalt  }
0x3e: {  	_ =	shalt  }
0x3f: {  	_ =	shalt  }
0x40: {  	_ =	shalt  }
0x41: {  	_ =	shalt  }
0x42: {  	_ =	shalt  }
0x43: {  	_ =	shalt  }
0x44: {  	_ =	shalt  }
0x45: {  	_ =	shalt  }
0x46: {  	_ =	shalt  }
0x47: {  	_ =	shalt  }
0x48: {  	_ =	shalt  }
0x49: {  	_ =	shalt  }
0x4a: {  	_ =	shalt  }
0x4b: {  	_ =	shalt  }
0x4c: {  	_ =	shalt  }
0x4d: {  	_ =	shalt  }
0x4e: {  	_ =	shalt  }
0x4f: {  	_ =	shalt  }
0x50: {  	_ =	shalt  }
0x51: {  	_ =	shalt  }
0x52: {  	_ =	shalt  }
0x53: {  	_ =	shalt  }
0x54: {  	_ =	shalt  }
0x55: {  	_ =	shalt  }
0x56: {  	_ =	shalt  }
0x57: {  	_ =	shalt  }
0x58: {  	_ =	shalt  }
0x59: {  	_ =	shalt  }
0x5a: {  	_ =	shalt  }
0x5b: {  	_ =	shalt  }
0x5c: {  	_ =	shalt  }
0x5d: {  	_ =	shalt  }
0x5e: {  	_ =	shalt  }
0x5f: {  	_ =	shalt  }
0x60: {  	_ =	shalt  }
0x61: {  	_ =	shalt  }
0x62: {  	_ =	shalt  }
0x63: {  	_ =	shalt  }
0x64: {  	_ =	shalt  }
0x65: {  	_ =	shalt  }
0x66: {  	_ =	shalt  }
0x67: {  	_ =	shalt  }
0x68: {  	_ =	shalt  }
0x69: {  	_ =	shalt  }
0x6a: {  	_ =	shalt  }
0x6b: {  	_ =	shalt  }
0x6c: {  	_ =	shalt  }
0x6d: {  	_ =	shalt  }
0x6e: {  	_ =	shalt  }
0x6f: {  	_ =	shalt  }
0x70: {  	_ =	shalt  }
0x71: {  	_ =	shalt  }
0x72: {  	_ =	shalt  }
0x73: {  	_ =	shalt  }
0x74: {  	_ =	shalt  }
0x75: {  	_ =	shalt  }
0x76: {  	_ =	shalt  }
0x77: {  	_ =	shalt  }
0x78: {  	_ =	shalt  }
0x79: {  	_ =	shalt  }
0x7a: {  	_ =	shalt  }
0x7b: {  	_ =	shalt  }
0x7c: {  	_ =	shalt  }
0x7d: {  	_ =	shalt  }
0x7e: {  	_ =	shalt  }
0x7f: {  	_ =	shalt  }
0x80: {  	_ =	shalt  }
0x81: {  	_ =	shalt  }
0x82: {  	_ =	shalt  }
0x83: {  	_ =	shalt  }
0x84: {  	_ =	shalt  }
0x85: {  	_ =	shalt  }
0x86: {  	_ =	shalt  }
0x87: {  	_ =	shalt  }
.Lfunc_end0:
.L_simem_size_0:
called_computation_lowered:
.L_overlay_start_0:
0x88: {  	s2 =	sld [smem:$0x3FD9]  }
0x89: {  	s3 =	sld [smem:$0x3FFE];
	_ =	sdelay $0x1  }
0x8a: {  	s1 =	srdreg.scid  }
0x8b: {  	s0 =	sand.u32 $0x1, s1  }
0x8c: {  	s18 =	sshll.u32 s0, $0xA;
	s2 =	sadd.s32 s3, s2  }
0x8d: {  	s2 =	sadd.s32 s2, s18  }
0x8e: {  	[smem:$0x3FC7] =	sst s2  }
0x8f: {  	_ = 	snop  }
0x90: {  	s2 =	sld [smem:$0x3FC9]  }
0x91: {  	s19 =	sld [smem:$0x3FD0];
	(tm) =	ssettm $0x1  }
0x92: {  	s4 =	sld [smem:$0x3FFB];
	_ =	sdelay $0x3  }
0x93: {  	_ =	strace s4  }
0x94: {  	s4 =	sld [smem:$0x3FFC];
	_ =	sdelay $0x3  }
0x95: {  	_ =	strace s4  }
0x96: {  	s4 =	sld [smem:$0x3FFD];
	_ =	sdelay $0x3  }
0x97: {  	_ =	strace s4  }
0x98: {  	_ =	strace $0x8FFFFFFF  }
0x99: {  	s20 =	sld [smem:$0x3FDB];
	_ =	sdelay $0x1  }
0x9a: {  	s5 =	simm.s32 $_scs_section_size  }
0x9b: {  	s6 =	simm.s32 $_size__tile_overlayer_lowered;
	s7 =	simm.s32 $_tile_overlayer_lowered  }
0x9c: {  	s23 =	simm.s32 $0x1BFF;
	s22 =	sshll.u32 s7, $0x1;
	s4 =	sadd.s32 s5, s20  }
0x9d: {  	s8 =	simm.s32 $0x0;
	s21 =	sshll.u32 s6, $0x1;
	s6 =	sadd.s32 s22, s4  }
0x9e: {  	[timem:s8], [sflag:s23] =	dma.local [hbm:s6], s21  }
0x9f: {  	_ =	swait.ge [sflag:s23], s21  }
0xa0: {  	s5 =	ssub.s32 $0x0, s21;
	[sflag:s23] =	ssyncset.done $0x0  }
0xa1: {  	[sflag:s23] =	ssyncadd.s32 s5;
	_ =	sdelay $0x1  }
0xa2: {  	s24 =	simm.s32 $0x1B8B  }
0xa3: {  	_ =	swait.ge [sflag:s24], $0x1  }
0xa4: {  	[sflag:s24] =	ssyncset.done $0x0  }
0xa5: {  	s25 =	simm.s32 $0x1B8E;
	[sflag:s24] =	ssyncadd.s32 $0xFFFFFFFF  }
0xa6: {  	s26 =	simm.s32 $execute0_lowered;
	[smem:$0x3FD2] =	sst s25  }
0xa7: {  	s5 =	sshll.u32 s26, $0x1;
	_ =	strace $0x80000046;
	[dreg:$0x1] =	wrdreg $0xFFFFFFFF  }
0xa8: {  	s28 =	simm.s32 $_size_execute0_lowered;
	s4 =	sadd.s32 s4, s5;
	[dreg:$0x0] =	wrdreg $0x0  }
0xa9: {  	s5 =	sshll.u32 s28, $0x1;
	[dreg:$0x2] =	wrdreg s4  }
0xaa: {  	[dreg:$0x3] =	wrdreg s5  }
0xab: {  	[dreg:$0x4] =	wrdreg $0xC0  }
0xac: {  	_ =	task [dreg:s8], $0x5FFFF  }
0xad: {  	[dreg:$0x1] =	wrdreg $0xFFFFFFFF  }
0xae: {  	[dreg:$0x0] =	wrdreg $0x60  }
0xaf: {  	[dreg:$0x2] =	wrdreg s2  }
0xb0: {  	[dreg:$0x3] =	wrdreg s19  }
0xb1: {  	[dreg:$0x4] =	wrdreg $0x9  }
0xb2: {  	_ =	task.clear_ibuf [dreg:s8], $0x5FFFF;
	_ =	strace $0x90000046  }
0xb3: {  	s29 =	simm.s32 $0x9;
	_ =	strace $0x80000048  }
0xb4: {  	_ =	swait.ge [sflag:s29], $0x1  }
0xb5: {  	[sflag:s29] =	ssyncadd.s32 $0xFFFFFFFF  }
0xb6: {  	_ =	strace $0x90000048  }
0xb7: {  	_ =	sfence  }
0xb8: {  	s30 =	sld [smem:$0x0];
	_ =	sdelay $0x2  }
0xb9: {  	s31 =	sshll.u32 s1, $0xD;
	s1 =	sshrl.u32 s1, $0x2  }
0xba: {  	s3 =	sand.u32 $0x4000, s31;
	s1 =	sadd.s32 s1, s30  }
0xbb: {  	s0 =	sor.u32 s3, s0;
	s1 =	sshll.u32 s1, $0x11  }
0xbc: {  	s0 =	sor.u32 s1, s0  }
0xbd: {  	s0 =	sadd.s32 $0x8F2B, s0  }
0xbe: {  	[sflag:s0] =	ssyncadd.remote.s32 $0x1  }
0xbf: {  	_ =	sfence.sel $0xFFFF  }
0xc0: {  	[dreg:$0x0] =	wrdreg $0xFFFFFFFF;
	(pc) =	sbr.abs _section_cstart, $3  }
0xc1: {  	[dreg:$0x1] =	wrdreg $0xFFFFFFFF  }
0xc2: {  	_ =	task.clear_ibuf [dreg:s8], $0x2FFFF;
	_ =	strace $0x9FFFFFFF  }
0xc3: {  	(tm) =	ssettm $0x7FFFFFFF  }
tec
execute0_lowered:
.L_overlay_start_1:
0x0: {  	(tag) =	ssettag $0x1  }
0x1: {  	s4 =	rddreg [dreg:$0x0]  }
0x2: {  	s2 =	rddreg [dreg:$0x1];
	s5 =	srdreg.scid  }
0x3: {  	s3 =	simm.s32 $0x0;
	s1 =	stileid.u32;
	s11 =	simm.s32 $0x400  }
0x4: {  	s12 =	simm.s32 $0x8000;
	s13 =	simm.s32 $0xC00;
	s14 =	simm.s32 $0x3  }
0x5: {  	s15 =	simm.s32 $0x1000;
	s16 =	simm.s32 $0x7400;
	s17 =	simm.s32 $0x1  }
0x6: {  	s18 =	simm.s32 $0x2;
	s19 =	simm.s32 $0x0;
	s5 =	sand.u32 $0x1, s5  }
0x7: {  	s7 =	sshll.u32 s1, $0xB;
	s6 =	ssub.s32 $0x2, s5;
	s5 =	sshll.u32 s5, $0xA  }
0x8: {  	[smem:$0x7FF] =	sst s3;
	s8 =	sshrl.u32 s6, $0x1;
	s10 =	sor.u32 s5, s7  }
0x9: {  	v0 =	vlaneseq.u32;
	_ =	strace $0x80000047;
	s8 =	ssub.s32 s6, s8;
	s5 =	sshrl.u32 s10, $0x3  }
0xa: {  	v1 =	vimm.f32 $0.0e+00;
	v2 =	vimm.f32 $1.000000000e+00;
	v3 =	vor.u32 $0x10, v0;
	s9 =	sor.u32 $0x258000, s10;
	s10 =	sor.u32 $0x190000, s10;
	s4 =	sadd.s32 s4, s5  }
0xb: {  	v4 =	vor.u32 $0x20, v0;
	v5 =	vor.u32 $0x30, v0;
	v6 =	vor.u32 $0x40, v0;
	s5 =	sadd.s32 s2, s5;
	s9 =	sshrl.u32 s9, $0x3;
	s8 =	smax.u32 s8, $0x1  }
0xc: {  	v7 =	vor.u32 $0x50, v0;
	v8 =	vor.u32 $0x60, v0;
	v9 =	vor.u32 $0x70, v0;
	s6 =	sadd.s32 $0x3000, s4;
	s7 =	sadd.s32 $0x19000, s5;
	s9 =	sadd.s32 s9, s2  }
.LBB2_1:
0xd: {  	[tilespmem:s3], [sflag:$0x3] =	stream.strided.gather [hbm4b:s4+s11], $0xC00, s12, s11, $0x38;
	[tilespmem:$0xD800] =	vst v63  }
0xe: {  	_ = 	snop  }
0xf: {  	[tilespmem:s13], [sflag:$0x3] =	stream.linear.gather [hbm4b:s6+s3], $0x100, $0x38;
	[tilespmem:$0xD800] =	vst v63  }
0x10: {  	_ =	swait.ge [sflag:s14], $0xD00  }
0x11: {  	[sflag:s14] =	ssyncset.done $0x0  }
0x12: {  	s20 =	simm.s32 $0x0;
	s21 =	simm.s32 $0x200;
	[sflag:s14] =	ssyncadd.s32 $0xFFFFF300  }
.LBB2_2:
0x13: {  	p0 =	sne.s32 s21, $0x18E00;
	[tilespmem:s20+$0x7470] =	vst v1  }
0x14: {  	[tilespmem:s20+$0x1000] =	vst v1  }
0x15: {  	[tilespmem:s20+$0x7400] =	vst v1  }
0x16: {  	[tilespmem:s20+$0x1010] =	vst v1  }
0x17: {  	[tilespmem:s20+$0x7410] =	vst v1  }
0x18: {  	[tilespmem:s20+$0x1020] =	vst v1  }
0x19: {  	[tilespmem:s20+$0x7420] =	vst v1  }
0x1a: {  	[tilespmem:s20+$0x1030] =	vst v1  }
0x1b: {  	[tilespmem:s20+$0x7430] =	vst v1  }
0x1c: {  	[tilespmem:s20+$0x1040] =	vst v1  }
0x1d: {  	[tilespmem:s20+$0x7440] =	vst v1  }
.Ltmp0:
0x1e: {  	[tilespmem:s20+$0x1050] =	vst v1;
	(pc) =	sbr.rel @p0 .LBB2_2-.Ltmp0, $4  }
0x1f: {  	[tilespmem:s20+$0x7450] =	vst v1  }
0x20: {  	[tilespmem:s20+$0x1060] =	vst v1  }
0x21: {  	[tilespmem:s20+$0x7460] =	vst v1  }
0x22: {  	[tilespmem:s20+$0x1070] =	vst v1;
	s20 =	sshra.s32 s21, $0x2;
	s21 =	sadd.s32 $0x200, s21  }
0x23: {  	[tilespmem:s20+$0x7470] =	vst v1  }
0x24: {  	[tilespmem:s20+$0x1000] =	vst v1  }
0x25: {  	[tilespmem:s20+$0x7400] =	vst v1  }
0x26: {  	[tilespmem:s20+$0x1010] =	vst v1  }
0x27: {  	[tilespmem:s20+$0x7410] =	vst v1  }
0x28: {  	[tilespmem:s20+$0x1020] =	vst v1  }
0x29: {  	[tilespmem:s20+$0x7420] =	vst v1  }
0x2a: {  	[tilespmem:s20+$0x1030] =	vst v1  }
0x2b: {  	[tilespmem:s20+$0x7430] =	vst v1  }
0x2c: {  	[tilespmem:s20+$0x1040] =	vst v1  }
0x2d: {  	[tilespmem:s20+$0x7440] =	vst v1  }
0x2e: {  	[tilespmem:s20+$0x1050] =	vst v1  }
0x2f: {  	[tilespmem:s20+$0x7450] =	vst v1  }
0x30: {  	[tilespmem:s20+$0x1060] =	vst v1  }
0x31: {  	[tilespmem:s20+$0x7460] =	vst v1  }
0x32: {  	[tilespmem:s20+$0x1070] =	vst v1  }
0x33: {  	v10 =	vld [tilespmem:$0x0];
	_ =	sdelay $0x4  }
0x34: {  	vm0 =	vgt.s32 v10, $0x0  }
0x35: {  	v11 =	vnsel vm0, $0x0, v10  }
0x36: {  	v11 =	vmin.u32 v11, $0xC7  }
0x37: {  	vm9 =	vlt.u32 v10, $0xC8;
	v10 =	vshll.u32 v11, $0x7  }
0x38: {  	v10 =	vor.u32 v0, v10;
	_ =	sdelay $0x4  }
0x39: {  	[tilespmem:v10+s15+$0x0] =	vst.idx.msk vm9, v2  }
0x3a: {  	v10 =	vld [tilespmem:$0x10];
	_ =	sdelay $0x4  }
0x3b: {  	vm10 =	vgt.s32 v10, $0x0  }
0x3c: {  	v11 =	vnsel vm10, $0x0, v10  }
0x3d: {  	v11 =	vmin.u32 v11, $0xC7  }
0x3e: {  	vm11 =	vlt.u32 v10, $0xC8;
	v10 =	vshll.u32 v11, $0x7  }
0x3f: {  	v10 =	vor.u32 v3, v10;
	_ =	sdelay $0x4  }
0x40: {  	[tilespmem:v10+s15+$0x0] =	vst.idx.msk vm11, v2  }
0x41: {  	v10 =	vld [tilespmem:$0x20];
	_ =	sdelay $0x4  }
0x42: {  	vm12 =	vgt.s32 v10, $0x0  }
0x43: {  	v11 =	vnsel vm12, $0x0, v10  }
0x44: {  	v11 =	vmin.u32 v11, $0xC7  }
0x45: {  	vm13 =	vlt.u32 v10, $0xC8;
	v10 =	vshll.u32 v11, $0x7  }
0x46: {  	v10 =	vor.u32 v4, v10;
	_ =	sdelay $0x4  }
0x47: {  	[tilespmem:v10+s15+$0x0] =	vst.idx.msk vm13, v2  }
0x48: {  	v10 =	vld [tilespmem:$0x30];
	_ =	sdelay $0x4  }
0x49: {  	vm14 =	vgt.s32 v10, $0x0  }
0x4a: {  	v11 =	vnsel vm14, $0x0, v10  }
0x4b: {  	v11 =	vmin.u32 v11, $0xC7  }
0x4c: {  	vm15 =	vlt.u32 v10, $0xC8;
	v10 =	vshll.u32 v11, $0x7  }
0x4d: {  	v10 =	vor.u32 v5, v10;
	_ =	sdelay $0x4  }
0x4e: {  	[tilespmem:v10+s15+$0x0] =	vst.idx.msk vm15, v2  }
0x4f: {  	v10 =	vld [tilespmem:$0x40];
	_ =	sdelay $0x4  }
0x50: {  	vm4 =	vgt.s32 v10, $0x0  }
0x51: {  	v11 =	vnsel vm4, $0x0, v10  }
0x52: {  	v11 =	vmin.u32 v11, $0xC7  }
0x53: {  	vm5 =	vlt.u32 v10, $0xC8;
	v10 =	vshll.u32 v11, $0x7  }
0x54: {  	v10 =	vor.u32 v6, v10;
	_ =	sdelay $0x4  }
0x55: {  	[tilespmem:v10+s15+$0x0] =	vst.idx.msk vm5, v2  }
0x56: {  	v10 =	vld [tilespmem:$0x50];
	_ =	sdelay $0x4  }
0x57: {  	vm6 =	vgt.s32 v10, $0x0  }
0x58: {  	v11 =	vnsel vm6, $0x0, v10  }
0x59: {  	v11 =	vmin.u32 v11, $0xC7  }
0x5a: {  	vm7 =	vlt.u32 v10, $0xC8;
	v10 =	vshll.u32 v11, $0x7  }
0x5b: {  	v10 =	vor.u32 v7, v10;
	_ =	sdelay $0x4  }
0x5c: {  	[tilespmem:v10+s15+$0x0] =	vst.idx.msk vm7, v2  }
0x5d: {  	v10 =	vld [tilespmem:$0x60];
	_ =	sdelay $0x4  }
0x5e: {  	vm8 =	vgt.s32 v10, $0x0  }
0x5f: {  	v11 =	vnsel vm8, $0x0, v10  }
0x60: {  	v11 =	vmin.u32 v11, $0xC7  }
0x61: {  	vm9 =	vlt.u32 v10, $0xC8;
	v10 =	vshll.u32 v11, $0x7  }
0x62: {  	v10 =	vor.u32 v8, v10;
	_ =	sdelay $0x4  }
0x63: {  	[tilespmem:v10+s15+$0x0] =	vst.idx.msk vm9, v2  }
0x64: {  	v10 =	vld [tilespmem:$0x70];
	_ =	sdelay $0x4  }
0x65: {  	vm10 =	vgt.s32 v10, $0x0  }
0x66: {  	v11 =	vnsel vm10, $0x0, v10  }
0x67: {  	v11 =	vmin.u32 v11, $0xC7  }
0x68: {  	vm11 =	vlt.u32 v10, $0xC8;
	v10 =	vshll.u32 v11, $0x7  }
0x69: {  	v10 =	vor.u32 v9, v10;
	_ =	sdelay $0x4  }
0x6a: {  	[tilespmem:v10+s15+$0x0] =	vst.idx.msk vm11, v2  }
0x6b: {  	[hbm4b:s5+s11] =	stream.strided.scatter [tilespmem:s15], [sflag:$0x1], $0x6400, s12, s11, $0x38;
	[tilespmem:$0xD800] =	vst v63  }
0x6c: {  	v10 =	vld [tilespmem:$0x0];
	_ =	sdelay $0x4  }
0x6d: {  	v10 =	vadd.s32 $0xFFFFFF38, v10  }
0x6e: {  	vm12 =	vgt.s32 v10, $0x0  }
0x6f: {  	v11 =	vnsel vm12, $0x0, v10  }
0x70: {  	v11 =	vmin.u32 v11, $0xC7  }
0x71: {  	vm13 =	vlt.u32 v10, $0xC8;
	v10 =	vshll.u32 v11, $0x7  }
0x72: {  	v10 =	vor.u32 v0, v10;
	_ =	sdelay $0x4  }
0x73: {  	[tilespmem:v10+s16+$0x0] =	vst.idx.msk vm13, v2  }
0x74: {  	v10 =	vld [tilespmem:$0x10];
	_ =	sdelay $0x4  }
0x75: {  	v10 =	vadd.s32 $0xFFFFFF38, v10  }
0x76: {  	vm14 =	vgt.s32 v10, $0x0  }
0x77: {  	v11 =	vnsel vm14, $0x0, v10  }
0x78: {  	v11 =	vmin.u32 v11, $0xC7  }
0x79: {  	vm15 =	vlt.u32 v10, $0xC8;
	v10 =	vshll.u32 v11, $0x7  }
0x7a: {  	v10 =	vor.u32 v3, v10;
	_ =	sdelay $0x4  }
0x7b: {  	[tilespmem:v10+s16+$0x0] =	vst.idx.msk vm15, v2  }
0x7c: {  	v10 =	vld [tilespmem:$0x20];
	_ =	sdelay $0x4  }
0x7d: {  	v10 =	vadd.s32 $0xFFFFFF38, v10  }
0x7e: {  	vm4 =	vgt.s32 v10, $0x0  }
0x7f: {  	v11 =	vnsel vm4, $0x0, v10  }
0x80: {  	v11 =	vmin.u32 v11, $0xC7  }
0x81: {  	vm5 =	vlt.u32 v10, $0xC8;
	v10 =	vshll.u32 v11, $0x7  }
0x82: {  	v10 =	vor.u32 v4, v10;
	_ =	sdelay $0x4  }
0x83: {  	[tilespmem:v10+s16+$0x0] =	vst.idx.msk vm5, v2  }
0x84: {  	v10 =	vld [tilespmem:$0x30];
	_ =	sdelay $0x4  }
0x85: {  	v10 =	vadd.s32 $0xFFFFFF38, v10  }
0x86: {  	vm6 =	vgt.s32 v10, $0x0  }
0x87: {  	v11 =	vnsel vm6, $0x0, v10  }
0x88: {  	v11 =	vmin.u32 v11, $0xC7  }
0x89: {  	vm7 =	vlt.u32 v10, $0xC8;
	v10 =	vshll.u32 v11, $0x7  }
0x8a: {  	v10 =	vor.u32 v5, v10;
	_ =	sdelay $0x4  }
0x8b: {  	[tilespmem:v10+s16+$0x0] =	vst.idx.msk vm7, v2  }
0x8c: {  	v10 =	vld [tilespmem:$0x40];
	_ =	sdelay $0x4  }
0x8d: {  	v10 =	vadd.s32 $0xFFFFFF38, v10  }
0x8e: {  	vm8 =	vgt.s32 v10, $0x0  }
0x8f: {  	v11 =	vnsel vm8, $0x0, v10  }
0x90: {  	v11 =	vmin.u32 v11, $0xC7  }
0x91: {  	vm9 =	vlt.u32 v10, $0xC8;
	v10 =	vshll.u32 v11, $0x7  }
0x92: {  	v10 =	vor.u32 v6, v10;
	_ =	sdelay $0x4  }
0x93: {  	[tilespmem:v10+s16+$0x0] =	vst.idx.msk vm9, v2  }
0x94: {  	v10 =	vld [tilespmem:$0x50];
	_ =	sdelay $0x4  }
0x95: {  	v10 =	vadd.s32 $0xFFFFFF38, v10  }
0x96: {  	vm10 =	vgt.s32 v10, $0x0  }
0x97: {  	v11 =	vnsel vm10, $0x0, v10  }
0x98: {  	v11 =	vmin.u32 v11, $0xC7  }
0x99: {  	vm11 =	vlt.u32 v10, $0xC8;
	v10 =	vshll.u32 v11, $0x7  }
0x9a: {  	v10 =	vor.u32 v7, v10;
	_ =	sdelay $0x4  }
0x9b: {  	[tilespmem:v10+s16+$0x0] =	vst.idx.msk vm11, v2  }
0x9c: {  	v10 =	vld [tilespmem:$0x60];
	_ =	sdelay $0x4  }
0x9d: {  	v10 =	vadd.s32 $0xFFFFFF38, v10  }
0x9e: {  	vm12 =	vgt.s32 v10, $0x0  }
0x9f: {  	v11 =	vnsel vm12, $0x0, v10  }
0xa0: {  	v11 =	vmin.u32 v11, $0xC7  }
0xa1: {  	vm13 =	vlt.u32 v10, $0xC8;
	v10 =	vshll.u32 v11, $0x7  }
0xa2: {  	v10 =	vor.u32 v8, v10;
	_ =	sdelay $0x4  }
0xa3: {  	[tilespmem:v10+s16+$0x0] =	vst.idx.msk vm13, v2  }
0xa4: {  	v10 =	vld [tilespmem:$0x70];
	_ =	sdelay $0x4  }
0xa5: {  	v10 =	vadd.s32 $0xFFFFFF38, v10  }
0xa6: {  	vm14 =	vgt.s32 v10, $0x0  }
0xa7: {  	v11 =	vnsel vm14, $0x0, v10  }
0xa8: {  	v11 =	vmin.u32 v11, $0xC7  }
0xa9: {  	vm15 =	vlt.u32 v10, $0xC8;
	v10 =	vshll.u32 v11, $0x7  }
0xaa: {  	v10 =	vor.u32 v9, v10;
	_ =	sdelay $0x2  }
0xab: {  	s24 =	simm.s32 $0x0;
	s20 =	simm.s32 $0x3  }
0xac: {  	s21 =	simm.s32 $0x2;
	s22 =	simm.s32 $0x1;
	s23 =	smov.u32 s10  }
0xad: {  	s25 =	smov.u32 s9;
	s26 =	simm.s32 $0x0;
	s28 =	simm.s32 $0x1;
	[tilespmem:v10+s16+$0x0] =	vst.idx.msk vm15, v2  }
0xae: {  	[hbm4b:s7+s11] =	stream.strided.scatter [tilespmem:s16], [sflag:$0x2], $0x6400, s12, s11, $0x38;
	[tilespmem:$0xD800] =	vst v63  }
.LBB2_4:
0xaf: {  	s29 =	sshll.u32 s24, $0x18  }
0xb0: {  	s30 =	sshra.s32 s29, $0x18  }
0xb1: {  	s30 =	smul.u32 $0x67, s30;
	_ =	sdelay $0x1  }
0xb2: {  	s31 =	sshrl.u32 s30, $0x1F;
	s30 =	sshra.s32 s30, $0x9  }
0xb3: {  	s30 =	sadd.s32 s31, s30  }
0xb4: {  	s31 =	smul.u32 $0xFFFFFFFB, s30  }
0xb5: {  	s0 =	ssub.s32 $0x0, s24  }
0xb6: {  	s0 =	sand.u32 $0xFF, s0;
	s31 =	sand.u32 $0xFF, s31  }
0xb7: {  	p0 =	slt.u32 s28, $0x2;
	p1 =	sne.s32 s31, s0  }
0xb8: {  	p0 =	por !p0, !p1  }
0xb9: {  	s0 =	simm.s32 $0x1;
	p0 =	por !p0, !p0  }
0xba: {  	s0 =	simm.s32 @!p0 $0x0  }
0xbb: {  	_ =	swait.ge [sflag:s17], $0x6400;
	s31 =	smulhi.u32 $0xCCCCCCCD, s24;
	s30 =	ssub.s32 s30, s0  }
0xbc: {  	[sflag:s17] =	ssyncset.done $0x0;
	s30 =	sshll.u32 s30, $0x9  }
0xbd: {  	[sflag:s17] =	ssyncadd.s32 $0xFFFF9C00;
	s31 =	sshrl.u32 s31, $0x2;
	s30 =	sshra.s32 s30, $0x2  }
0xbe: {  	s0 =	ssub.s32 s31, s0;
	v10 =	vld [tilespmem:s30+$0x0]  }
0xbf: {  	s0 =	smul.u32 $0xFFFFFC18, s0;
	_ =	sdelay $0x1  }
0xc0: {  	s0 =	sadd.s32 s0, s26  }
0xc1: {  	v11 =	vmov s0  }
0xc2: {  	v10 =	vsub.s32 v10, v11  }
0xc3: {  	vm0 =	vgt.s32 v10, $0x0  }
0xc4: {  	v12 =	vnsel vm0, $0x0, v10  }
0xc5: {  	v12 =	vmin.u32 v12, $0xC7  }
0xc6: {  	vm13 =	vlt.u32 v10, $0xC8;
	v10 =	vshll.u32 v12, $0x7  }
0xc7: {  	v10 =	vor.u32 v0, v10;
	_ =	sdelay $0x4  }
0xc8: {  	[tilespmem:v10+s15+$0x0] =	vst.idx.msk vm13, v1  }
0xc9: {  	v10 =	vld [tilespmem:s30+$0x10];
	_ =	sdelay $0x4  }
0xca: {  	v10 =	vsub.s32 v10, v11  }
0xcb: {  	vm14 =	vgt.s32 v10, $0x0  }
0xcc: {  	v37 =	vnsel vm14, $0x0, v10  }
0xcd: {  	v12 =	vmin.u32 v37, $0xC7  }
0xce: {  	vm15 =	vlt.u32 v10, $0xC8;
	v10 =	vshll.u32 v12, $0x7  }
0xcf: {  	v10 =	vor.u32 v3, v10;
	_ =	sdelay $0x4  }
0xd0: {  	[tilespmem:v10+s15+$0x0] =	vst.idx.msk vm15, v1  }
0xd1: {  	v10 =	vld [tilespmem:s30+$0x20];
	_ =	sdelay $0x4  }
0xd2: {  	v10 =	vsub.s32 v10, v11  }
0xd3: {  	vm4 =	vgt.s32 v10, $0x0  }
0xd4: {  	v38 =	vnsel vm4, $0x0, v10  }
0xd5: {  	v12 =	vmin.u32 v38, $0xC7  }
0xd6: {  	vm5 =	vlt.u32 v10, $0xC8;
	v10 =	vshll.u32 v12, $0x7  }
0xd7: {  	v10 =	vor.u32 v4, v10;
	_ =	sdelay $0x4  }
0xd8: {  	[tilespmem:v10+s15+$0x0] =	vst.idx.msk vm5, v1  }
0xd9: {  	v10 =	vld [tilespmem:s30+$0x30];
	_ =	sdelay $0x4  }
0xda: {  	v10 =	vsub.s32 v10, v11  }
0xdb: {  	vm6 =	vgt.s32 v10, $0x0  }
0xdc: {  	v39 =	vnsel vm6, $0x0, v10  }
0xdd: {  	v12 =	vmin.u32 v39, $0xC7  }
0xde: {  	vm7 =	vlt.u32 v10, $0xC8;
	v10 =	vshll.u32 v12, $0x7  }
0xdf: {  	v10 =	vor.u32 v5, v10;
	_ =	sdelay $0x4  }
0xe0: {  	[tilespmem:v10+s15+$0x0] =	vst.idx.msk vm7, v1  }
0xe1: {  	v10 =	vld [tilespmem:s30+$0x40];
	_ =	sdelay $0x4  }
0xe2: {  	v10 =	vsub.s32 v10, v11  }
0xe3: {  	vm8 =	vgt.s32 v10, $0x0  }
0xe4: {  	v40 =	vnsel vm8, $0x0, v10  }
0xe5: {  	v12 =	vmin.u32 v40, $0xC7  }
0xe6: {  	vm9 =	vlt.u32 v10, $0xC8;
	v10 =	vshll.u32 v12, $0x7  }
0xe7: {  	v10 =	vor.u32 v6, v10;
	_ =	sdelay $0x4  }
0xe8: {  	[tilespmem:v10+s15+$0x0] =	vst.idx.msk vm9, v1  }
0xe9: {  	v10 =	vld [tilespmem:s30+$0x50];
	_ =	sdelay $0x4  }
0xea: {  	v10 =	vsub.s32 v10, v11  }
0xeb: {  	vm10 =	vgt.s32 v10, $0x0  }
0xec: {  	v41 =	vnsel vm10, $0x0, v10  }
0xed: {  	v12 =	vmin.u32 v41, $0xC7  }
0xee: {  	vm11 =	vlt.u32 v10, $0xC8;
	v10 =	vshll.u32 v12, $0x7  }
0xef: {  	v10 =	vor.u32 v7, v10;
	_ =	sdelay $0x4  }
0xf0: {  	[tilespmem:v10+s15+$0x0] =	vst.idx.msk vm11, v1  }
0xf1: {  	v10 =	vld [tilespmem:s30+$0x60];
	_ =	sdelay $0x4  }
0xf2: {  	v10 =	vsub.s32 v10, v11  }
0xf3: {  	vm12 =	vgt.s32 v10, $0x0  }
0xf4: {  	v42 =	vnsel vm12, $0x0, v10  }
0xf5: {  	v12 =	vmin.u32 v42, $0xC7  }
0xf6: {  	vm13 =	vlt.u32 v10, $0xC8;
	v10 =	vshll.u32 v12, $0x7  }
0xf7: {  	v10 =	vor.u32 v8, v10;
	_ =	sdelay $0x4  }
0xf8: {  	[tilespmem:v10+s15+$0x0] =	vst.idx.msk vm13, v1  }
0xf9: {  	v10 =	vld [tilespmem:s30+$0x70];
	_ =	sdelay $0x4  }
0xfa: {  	v10 =	vsub.s32 v10, v11  }
0xfb: {  	vm14 =	vgt.s32 v10, $0x0  }
0xfc: {  	v11 =	vnsel vm14, $0x0, v10  }
0xfd: {  	v11 =	vmin.u32 v11, $0xC7  }
0xfe: {  	vm15 =	vlt.u32 v10, $0xC8;
	v10 =	vshll.u32 v11, $0x7  }
0xff: {  	v10 =	vor.u32 v9, v10  }
0x100: {  	s30 =	smul.u32 $0xCD, s24;
	_ =	sdelay $0x1  }
0x101: {  	s0 =	smulhi.u32 $0xCCCCCCCD, s21;
	s31 =	sadd.s32 $0x19A, s30  }
0x102: {  	s31 =	sshrl.u32 s31, $0x3  }
0x103: {  	s0 =	sshrl.u32 s0, $0x2;
	s31 =	sand.u32 $0x1F80, s31;
	[tilespmem:v10+s15+$0x0] =	vst.idx.msk vm15, v1  }
0x104: {  	s0 =	smul.u32 $0x3E8, s0;
	v10 =	vld [tilespmem:s31+$0x0];
	_ =	sdelay $0x1  }
0x105: {  	s0 =	ssub.s32 s26, s0  }
0x106: {  	s0 =	sadd.s32 $0x190, s0  }
0x107: {  	v11 =	vmov s0  }
0x108: {  	v10 =	vsub.s32 v10, v11  }
0x109: {  	vm4 =	vgt.s32 v10, $0x0  }
0x10a: {  	v43 =	vnsel vm4, $0x0, v10  }
0x10b: {  	v12 =	vmin.u32 v43, $0xC7  }
0x10c: {  	vm5 =	vlt.u32 v10, $0xC8;
	v10 =	vshll.u32 v12, $0x7  }
0x10d: {  	v10 =	vor.u32 v0, v10;
	_ =	sdelay $0x4  }
0x10e: {  	[tilespmem:v10+s15+$0x0] =	vst.idx.msk vm5, v2  }
0x10f: {  	v10 =	vld [tilespmem:s31+$0x10];
	_ =	sdelay $0x4  }
0x110: {  	v10 =	vsub.s32 v10, v11  }
0x111: {  	vm6 =	vgt.s32 v10, $0x0  }
0x112: {  	v44 =	vnsel vm6, $0x0, v10  }
0x113: {  	v12 =	vmin.u32 v44, $0xC7  }
0x114: {  	vm7 =	vlt.u32 v10, $0xC8;
	v10 =	vshll.u32 v12, $0x7  }
0x115: {  	v10 =	vor.u32 v3, v10;
	_ =	sdelay $0x4  }
0x116: {  	[tilespmem:v10+s15+$0x0] =	vst.idx.msk vm7, v2  }
0x117: {  	v10 =	vld [tilespmem:s31+$0x20];
	_ =	sdelay $0x4  }
0x118: {  	v10 =	vsub.s32 v10, v11  }
0x119: {  	vm8 =	vgt.s32 v10, $0x0  }
0x11a: {  	v45 =	vnsel vm8, $0x0, v10  }
0x11b: {  	v12 =	vmin.u32 v45, $0xC7  }
0x11c: {  	vm9 =	vlt.u32 v10, $0xC8;
	v10 =	vshll.u32 v12, $0x7  }
0x11d: {  	v10 =	vor.u32 v4, v10;
	_ =	sdelay $0x4  }
0x11e: {  	[tilespmem:v10+s15+$0x0] =	vst.idx.msk vm9, v2  }
0x11f: {  	v10 =	vld [tilespmem:s31+$0x30];
	_ =	sdelay $0x4  }
0x120: {  	v10 =	vsub.s32 v10, v11  }
0x121: {  	vm10 =	vgt.s32 v10, $0x0  }
0x122: {  	v46 =	vnsel vm10, $0x0, v10  }
0x123: {  	v12 =	vmin.u32 v46, $0xC7  }
0x124: {  	vm11 =	vlt.u32 v10, $0xC8;
	v10 =	vshll.u32 v12, $0x7  }
0x125: {  	v10 =	vor.u32 v5, v10;
	_ =	sdelay $0x4  }
0x126: {  	[tilespmem:v10+s15+$0x0] =	vst.idx.msk vm11, v2  }
0x127: {  	v10 =	vld [tilespmem:s31+$0x40];
	_ =	sdelay $0x4  }
0x128: {  	v10 =	vsub.s32 v10, v11  }
0x129: {  	vm12 =	vgt.s32 v10, $0x0  }
0x12a: {  	v47 =	vnsel vm12, $0x0, v10  }
0x12b: {  	v12 =	vmin.u32 v47, $0xC7  }
0x12c: {  	vm13 =	vlt.u32 v10, $0xC8;
	v10 =	vshll.u32 v12, $0x7  }
0x12d: {  	v10 =	vor.u32 v6, v10;
	_ =	sdelay $0x4  }
0x12e: {  	[tilespmem:v10+s15+$0x0] =	vst.idx.msk vm13, v2  }
0x12f: {  	v10 =	vld [tilespmem:s31+$0x50];
	_ =	sdelay $0x4  }
0x130: {  	v10 =	vsub.s32 v10, v11  }
0x131: {  	vm14 =	vgt.s32 v10, $0x0  }
0x132: {  	v48 =	vnsel vm14, $0x0, v10  }
0x133: {  	v12 =	vmin.u32 v48, $0xC7  }
0x134: {  	vm15 =	vlt.u32 v10, $0xC8;
	v10 =	vshll.u32 v12, $0x7  }
0x135: {  	v10 =	vor.u32 v7, v10;
	_ =	sdelay $0x4  }
0x136: {  	[tilespmem:v10+s15+$0x0] =	vst.idx.msk vm15, v2  }
0x137: {  	v10 =	vld [tilespmem:s31+$0x60];
	_ =	sdelay $0x4  }
0x138: {  	v10 =	vsub.s32 v10, v11  }
0x139: {  	vm4 =	vgt.s32 v10, $0x0  }
0x13a: {  	v49 =	vnsel vm4, $0x0, v10  }
0x13b: {  	v12 =	vmin.u32 v49, $0xC7  }
0x13c: {  	vm5 =	vlt.u32 v10, $0xC8;
	v10 =	vshll.u32 v12, $0x7  }
0x13d: {  	v10 =	vor.u32 v8, v10;
	_ =	sdelay $0x4  }
0x13e: {  	[tilespmem:v10+s15+$0x0] =	vst.idx.msk vm5, v2  }
0x13f: {  	v10 =	vld [tilespmem:s31+$0x70];
	_ =	sdelay $0x4  }
0x140: {  	v10 =	vsub.s32 v10, v11  }
0x141: {  	vm6 =	vgt.s32 v10, $0x0  }
0x142: {  	v11 =	vnsel vm6, $0x0, v10  }
0x143: {  	v11 =	vmin.u32 v11, $0xC7  }
0x144: {  	vm7 =	vlt.u32 v10, $0xC8;
	v10 =	vshll.u32 v11, $0x7  }
0x145: {  	v10 =	vor.u32 v9, v10;
	_ =	sdelay $0x2  }
0x146: {  	s0 =	sadd.s32 $0x1000000, s29  }
0x147: {  	s0 =	sshra.s32 s0, $0x18;
	s31 =	sshrl.u32 s23, $0x3  }
0x148: {  	s0 =	smul.u32 $0x67, s0;
	s29 =	sadd.s32 s2, s31;
	[tilespmem:v10+s15+$0x0] =	vst.idx.msk vm7, v2  }
0x149: {  	[hbm4b:s29+s11] =	stream.strided.scatter [tilespmem:s15], [sflag:$0x1], $0x6400, s12, s11, $0x38;
	[tilespmem:$0xD800] =	vst v63  }
0x14a: {  	s29 =	sshrl.u32 s0, $0x1F;
	s0 =	sshrl.u32 s0, $0x9  }
0x14b: {  	s31 =	smulhi.u32 $0xCCCCCCCD, s22;
	s0 =	sadd.s32 s29, s0;
	_ =	swait.ge [sflag:s18], $0x6400  }
0x14c: {  	[sflag:s18] =	ssyncset.done $0x0;
	s0 =	sshll.u32 s0, $0x9  }
0x14d: {  	s31 =	sshrl.u32 s31, $0x2;
	[sflag:s18] =	ssyncadd.s32 $0xFFFF9C00;
	s29 =	sshra.s32 s0, $0x2  }
0x14e: {  	s31 =	smul.u32 $0x3E8, s31;
	v10 =	vld [tilespmem:s29+$0x0];
	_ =	sdelay $0x1  }
0x14f: {  	s0 =	ssub.s32 s26, s31  }
0x150: {  	s0 =	sadd.s32 $0xC8, s0  }
0x151: {  	v11 =	vmov s0  }
0x152: {  	v10 =	vsub.s32 v10, v11  }
0x153: {  	vm8 =	vgt.s32 v10, $0x0  }
0x154: {  	v50 =	vnsel vm8, $0x0, v10  }
0x155: {  	v12 =	vmin.u32 v50, $0xC7  }
0x156: {  	vm9 =	vlt.u32 v10, $0xC8;
	v10 =	vshll.u32 v12, $0x7  }
0x157: {  	v10 =	vor.u32 v0, v10;
	_ =	sdelay $0x4  }
0x158: {  	[tilespmem:v10+s16+$0x0] =	vst.idx.msk vm9, v1  }
0x159: {  	v10 =	vld [tilespmem:s29+$0x10];
	_ =	sdelay $0x4  }
0x15a: {  	v10 =	vsub.s32 v10, v11  }
0x15b: {  	vm10 =	vgt.s32 v10, $0x0  }
0x15c: {  	v51 =	vnsel vm10, $0x0, v10  }
0x15d: {  	v12 =	vmin.u32 v51, $0xC7  }
0x15e: {  	vm11 =	vlt.u32 v10, $0xC8;
	v10 =	vshll.u32 v12, $0x7  }
0x15f: {  	v10 =	vor.u32 v3, v10;
	_ =	sdelay $0x4  }
0x160: {  	[tilespmem:v10+s16+$0x0] =	vst.idx.msk vm11, v1  }
0x161: {  	v10 =	vld [tilespmem:s29+$0x20];
	_ =	sdelay $0x4  }
0x162: {  	v10 =	vsub.s32 v10, v11  }
0x163: {  	vm12 =	vgt.s32 v10, $0x0  }
0x164: {  	v52 =	vnsel vm12, $0x0, v10  }
0x165: {  	v12 =	vmin.u32 v52, $0xC7  }
0x166: {  	vm13 =	vlt.u32 v10, $0xC8;
	v10 =	vshll.u32 v12, $0x7  }
0x167: {  	v10 =	vor.u32 v4, v10;
	_ =	sdelay $0x4  }
0x168: {  	[tilespmem:v10+s16+$0x0] =	vst.idx.msk vm13, v1  }
0x169: {  	v10 =	vld [tilespmem:s29+$0x30];
	_ =	sdelay $0x4  }
0x16a: {  	v10 =	vsub.s32 v10, v11  }
0x16b: {  	vm14 =	vgt.s32 v10, $0x0  }
0x16c: {  	v53 =	vnsel vm14, $0x0, v10  }
0x16d: {  	v12 =	vmin.u32 v53, $0xC7  }
0x16e: {  	vm15 =	vlt.u32 v10, $0xC8;
	v10 =	vshll.u32 v12, $0x7  }
0x16f: {  	v10 =	vor.u32 v5, v10;
	_ =	sdelay $0x4  }
0x170: {  	[tilespmem:v10+s16+$0x0] =	vst.idx.msk vm15, v1  }
0x171: {  	v10 =	vld [tilespmem:s29+$0x40];
	_ =	sdelay $0x4  }
0x172: {  	v10 =	vsub.s32 v10, v11  }
0x173: {  	vm4 =	vgt.s32 v10, $0x0  }
0x174: {  	v54 =	vnsel vm4, $0x0, v10  }
0x175: {  	v12 =	vmin.u32 v54, $0xC7  }
0x176: {  	vm5 =	vlt.u32 v10, $0xC8;
	v10 =	vshll.u32 v12, $0x7  }
0x177: {  	v10 =	vor.u32 v6, v10;
	_ =	sdelay $0x4  }
0x178: {  	[tilespmem:v10+s16+$0x0] =	vst.idx.msk vm5, v1  }
0x179: {  	v10 =	vld [tilespmem:s29+$0x50];
	_ =	sdelay $0x4  }
0x17a: {  	v10 =	vsub.s32 v10, v11  }
0x17b: {  	vm6 =	vgt.s32 v10, $0x0  }
0x17c: {  	v55 =	vnsel vm6, $0x0, v10  }
0x17d: {  	v12 =	vmin.u32 v55, $0xC7  }
0x17e: {  	vm7 =	vlt.u32 v10, $0xC8;
	v10 =	vshll.u32 v12, $0x7  }
0x17f: {  	v10 =	vor.u32 v7, v10;
	_ =	sdelay $0x4  }
0x180: {  	[tilespmem:v10+s16+$0x0] =	vst.idx.msk vm7, v1  }
0x181: {  	v10 =	vld [tilespmem:s29+$0x60];
	_ =	sdelay $0x4  }
0x182: {  	v10 =	vsub.s32 v10, v11  }
0x183: {  	vm8 =	vgt.s32 v10, $0x0  }
0x184: {  	v56 =	vnsel vm8, $0x0, v10  }
0x185: {  	v12 =	vmin.u32 v56, $0xC7  }
0x186: {  	vm9 =	vlt.u32 v10, $0xC8;
	v10 =	vshll.u32 v12, $0x7  }
0x187: {  	v10 =	vor.u32 v8, v10;
	_ =	sdelay $0x4  }
0x188: {  	[tilespmem:v10+s16+$0x0] =	vst.idx.msk vm9, v1  }
0x189: {  	v10 =	vld [tilespmem:s29+$0x70];
	_ =	sdelay $0x4  }
0x18a: {  	v10 =	vsub.s32 v10, v11  }
0x18b: {  	vm10 =	vgt.s32 v10, $0x0  }
0x18c: {  	v11 =	vnsel vm10, $0x0, v10  }
0x18d: {  	v11 =	vmin.u32 v11, $0xC7  }
0x18e: {  	vm11 =	vlt.u32 v10, $0xC8;
	v10 =	vshll.u32 v11, $0x7  }
0x18f: {  	v10 =	vor.u32 v9, v10;
	_ =	sdelay $0x2  }
0x190: {  	s30 =	sadd.s32 $0x267, s30;
	s31 =	smulhi.u32 $0xCCCCCCCD, s20  }
0x191: {  	s29 =	sshrl.u32 s30, $0x3  }
0x192: {  	s0 =	sshrl.u32 s31, $0x2;
	s29 =	sand.u32 $0x1F80, s29;
	[tilespmem:v10+s16+$0x0] =	vst.idx.msk vm11, v1  }
0x193: {  	s0 =	smul.u32 $0x3E8, s0;
	v10 =	vld [tilespmem:s29+$0x0];
	_ =	sdelay $0x1  }
0x194: {  	s0 =	ssub.s32 s26, s0  }
0x195: {  	s0 =	sadd.s32 $0x258, s0  }
0x196: {  	v11 =	vmov s0  }
0x197: {  	v10 =	vsub.s32 v10, v11  }
0x198: {  	vm12 =	vgt.s32 v10, $0x0  }
0x199: {  	v57 =	vnsel vm12, $0x0, v10  }
0x19a: {  	v12 =	vmin.u32 v57, $0xC7  }
0x19b: {  	vm13 =	vlt.u32 v10, $0xC8;
	v10 =	vshll.u32 v12, $0x7  }
0x19c: {  	v10 =	vor.u32 v0, v10;
	_ =	sdelay $0x4  }
0x19d: {  	[tilespmem:v10+s16+$0x0] =	vst.idx.msk vm13, v2  }
0x19e: {  	v10 =	vld [tilespmem:s29+$0x10];
	_ =	sdelay $0x4  }
0x19f: {  	v10 =	vsub.s32 v10, v11  }
0x1a0: {  	vm14 =	vgt.s32 v10, $0x0  }
0x1a1: {  	v58 =	vnsel vm14, $0x0, v10  }
0x1a2: {  	v12 =	vmin.u32 v58, $0xC7  }
0x1a3: {  	vm15 =	vlt.u32 v10, $0xC8;
	v10 =	vshll.u32 v12, $0x7  }
0x1a4: {  	v10 =	vor.u32 v3, v10;
	_ =	sdelay $0x4  }
0x1a5: {  	[tilespmem:v10+s16+$0x0] =	vst.idx.msk vm15, v2  }
0x1a6: {  	v10 =	vld [tilespmem:s29+$0x20];
	_ =	sdelay $0x4  }
0x1a7: {  	v10 =	vsub.s32 v10, v11  }
0x1a8: {  	vm4 =	vgt.s32 v10, $0x0  }
0x1a9: {  	v59 =	vnsel vm4, $0x0, v10  }
0x1aa: {  	v12 =	vmin.u32 v59, $0xC7  }
0x1ab: {  	vm5 =	vlt.u32 v10, $0xC8;
	v10 =	vshll.u32 v12, $0x7  }
0x1ac: {  	v10 =	vor.u32 v4, v10;
	_ =	sdelay $0x4  }
0x1ad: {  	[tilespmem:v10+s16+$0x0] =	vst.idx.msk vm5, v2  }
0x1ae: {  	v10 =	vld [tilespmem:s29+$0x30];
	_ =	sdelay $0x4  }
0x1af: {  	v10 =	vsub.s32 v10, v11  }
0x1b0: {  	vm6 =	vgt.s32 v10, $0x0  }
0x1b1: {  	v60 =	vnsel vm6, $0x0, v10  }
0x1b2: {  	v12 =	vmin.u32 v60, $0xC7  }
0x1b3: {  	vm7 =	vlt.u32 v10, $0xC8;
	v10 =	vshll.u32 v12, $0x7  }
0x1b4: {  	v10 =	vor.u32 v5, v10;
	_ =	sdelay $0x4  }
0x1b5: {  	[tilespmem:v10+s16+$0x0] =	vst.idx.msk vm7, v2  }
0x1b6: {  	v10 =	vld [tilespmem:s29+$0x40];
	_ =	sdelay $0x4  }
0x1b7: {  	v10 =	vsub.s32 v10, v11  }
0x1b8: {  	vm8 =	vgt.s32 v10, $0x0  }
0x1b9: {  	v61 =	vnsel vm8, $0x0, v10  }
0x1ba: {  	v12 =	vmin.u32 v61, $0xC7  }
0x1bb: {  	vm9 =	vlt.u32 v10, $0xC8;
	v10 =	vshll.u32 v12, $0x7  }
0x1bc: {  	v10 =	vor.u32 v6, v10;
	_ =	sdelay $0x4  }
0x1bd: {  	[tilespmem:v10+s16+$0x0] =	vst.idx.msk vm9, v2  }
0x1be: {  	v10 =	vld [tilespmem:s29+$0x50];
	_ =	sdelay $0x4  }
0x1bf: {  	v10 =	vsub.s32 v10, v11  }
0x1c0: {  	vm10 =	vgt.s32 v10, $0x0  }
0x1c1: {  	v62 =	vnsel vm10, $0x0, v10  }
0x1c2: {  	v12 =	vmin.u32 v62, $0xC7  }
0x1c3: {  	vm11 =	vlt.u32 v10, $0xC8;
	v10 =	vshll.u32 v12, $0x7  }
0x1c4: {  	v10 =	vor.u32 v7, v10;
	_ =	sdelay $0x4  }
0x1c5: {  	[tilespmem:v10+s16+$0x0] =	vst.idx.msk vm11, v2  }
0x1c6: {  	v10 =	vld [tilespmem:s29+$0x60];
	_ =	sdelay $0x4  }
0x1c7: {  	v10 =	vsub.s32 v10, v11  }
0x1c8: {  	vm12 =	vgt.s32 v10, $0x0  }
0x1c9: {  	v63 =	vnsel vm12, $0x0, v10  }
0x1ca: {  	v12 =	vmin.u32 v63, $0xC7  }
0x1cb: {  	vm13 =	vlt.u32 v10, $0xC8;
	v10 =	vshll.u32 v12, $0x7  }
0x1cc: {  	v10 =	vor.u32 v8, v10;
	_ =	sdelay $0x4  }
0x1cd: {  	[tilespmem:v10+s16+$0x0] =	vst.idx.msk vm13, v2  }
0x1ce: {  	v10 =	vld [tilespmem:s29+$0x70];
	_ =	sdelay $0x4  }
0x1cf: {  	v10 =	vsub.s32 v10, v11  }
0x1d0: {  	vm14 =	vgt.s32 v10, $0x0  }
0x1d1: {  	v11 =	vnsel vm14, $0x0, v10  }
0x1d2: {  	v11 =	vmin.u32 v11, $0xC7  }
0x1d3: {  	vm15 =	vlt.u32 v10, $0xC8;
	v10 =	vshll.u32 v11, $0x7  }
0x1d4: {  	v10 =	vor.u32 v9, v10;
	_ =	sdelay $0x1  }
0x1d5: {  	p0 =	sne.s32 s24, $0x7E  }
.Ltmp1:
0x1d6: {  	_ = 	snop;
	(pc) =	sbr.rel @p0 .LBB2_4-.Ltmp1, $4  }
0x1d7: {  	s28 =	sadd.s32 $0x1, s28;
	s21 =	sadd.s32 $0x2, s21;
	s23 =	sadd.s32 $0x190000, s23  }
0x1d8: {  	s22 =	sadd.s32 $0x2, s22;
	s20 =	sadd.s32 $0x2, s20;
	s31 =	sadd.s32 $0x2, s24;
	[tilespmem:v10+s16+$0x0] =	vst.idx.msk vm15, v2  }
0x1d9: {  	[hbm4b:s25+s11] =	stream.strided.scatter [tilespmem:s16], [sflag:$0x2], $0x6400, s12, s11, $0x38;
	[tilespmem:$0xD800] =	vst v63  }
0x1da: {  	s24 =	smov.u32 s31;
	s26 =	sadd.s32 $0x190, s26;
	s25 =	sadd.s32 $0x32000, s25  }
0x1db: {  	s19 =	sadd.s32 $0x1, s19  }
0x1dc: {  	_ =	swait.ge [sflag:s17], $0x6400;
	p0 =	sne.s32 s19, s8  }
.Ltmp2:
0x1dd: {  	[sflag:s17] =	ssyncset.done $0x0;
	(pc) =	sbr.rel @p0 .LBB2_1-.Ltmp2, $4  }
0x1de: {  	[sflag:s17] =	ssyncadd.s32 $0xFFFF9C00  }
0x1df: {  	_ =	swait.ge [sflag:s18], $0x6400  }
0x1e0: {  	[sflag:s18] =	ssyncset.done $0x0  }
0x1e1: {  	[sflag:s18] =	ssyncadd.s32 $0xFFFF9C00  }
0x1e2: {  	_ =	sfence.sel $0x180000  }
0x1e3: {  	[bflag:$0x0] =	sbarrier.arrive $0xFFFF  }
0x1e4: {  	_ =	strace $0x90000047  }
0x1e5: {  	[bflag:$0x2] =	sbarrier.arrive $0xFFFF  }
0x1e6: {  	p0 =	sne.s32 s1, $0x0;
	s0 =	rddreg [dreg:$0x2]  }
0x1e7: {  	s0 =	sadd.s32 @!p0 $0x100000, s0  }
0x1e8: {  	[sflag:s0] =	ssyncadd.tile.s32 @!p0 $0x1;
	_ =	shalt  }
.Lfunc_end2:
_tile_overlayer_lowered:
.L_overlay_start_2:
0x1e9: {  	(tag) =	ssettag $0x2  }
0x1ea: {  	s0 =	rddreg [dreg:$0x0];
	s2 =	stileid.u32  }
0x1eb: {  	s1 =	rddreg [dreg:$0x1];
	p0 =	sne.s32 s2, $0x0  }
0x1ec: {  	s3 =	rddreg [dreg:$0x2];
	[bflag:$0x3] =	sbarrier.arrive $0xFFFF;
	s2 =	simm.s32 @!p0 $0x1C03  }
0x1ed: {  	[timem:s3], [sflag:s2] =	dma.local @!p0 [hbm:s0], s1  }
0x1ee: {  	s0 =	simm.s32 @!p0 $0x3  }
0x1ef: {  	_ =	swait.ge @!p0 [sflag:s0], s1  }
0x1f0: {  	s1 =	ssub.s32 @!p0 $0x0, s1;
	[sflag:s0] =	ssyncset.done @!p0 $0x0  }
0x1f1: {  	[sflag:s0] =	ssyncadd.s32 @!p0 s1  }
0x1f2: {  	[bflag:$0x3] =	sbarrier.arrive $0xFFFF  }
0x1f3: {  	_ =	shalt  }

</sc_bundles>
